<compile_context>
chip_gen: v7x
topology: tpu7x:2x2x1
jax: 0.10.2.dev20260603
libtpu: 0.0.44.dev20260713+nightly
codegen_flags: <defaults>
</compile_context>

<pallas_src>
import functools

import jax
import jax.numpy as jnp
from jax import lax
from jax.experimental import pallas as pl
from jax.experimental.pallas import tpu as pltpu
from jax.experimental.pallas import tpu_sc as plsc

HID = 1024
OUT_W = HID + 1
NC = 2
NS = 16
NW = NC * NS
CHUNK = 32


def _gather_body(tok_per_w, ids_hbm, table_hbm, out_hbm,
                 idx_v, rows0, rows1, sem0, sem1):
    c = lax.axis_index("c")
    s = lax.axis_index("s")
    wid = s * NC + c
    base = wid * tok_per_w

    pltpu.sync_copy(ids_hbm.at[pl.ds(base, tok_per_w)], idx_v)

    nchunk = tok_per_w // CHUNK
    bufs = (rows0, rows1)
    sems = (sem0, sem1)
    cps = [None, None]
    cps[0] = pltpu.async_copy(
        table_hbm.at[idx_v.at[pl.ds(0, CHUNK)]], rows0, sem0)
    for i in range(nchunk):
        cur = i % 2
        nxt = (i + 1) % 2
        if i + 1 < nchunk:
            cps[nxt] = pltpu.async_copy(
                table_hbm.at[idx_v.at[pl.ds((i + 1) * CHUNK, CHUNK)]],
                bufs[nxt], sems[nxt])
        cps[cur].wait()
        pltpu.sync_copy(
            bufs[cur],
            out_hbm.at[pl.ds(base + i * CHUNK, CHUNK), pl.ds(0, HID)])


def _mask_body(tok_per_w, maskt_ref, emb_ref, out_ref):
    del emb_ref
    i = pl.program_id(0)
    m = maskt_ref[...]
    lane = jax.lax.broadcasted_iota(jnp.int32, m.shape, 1)
    col = jnp.sum(jnp.where(lane == i, m, 0.0), axis=1, keepdims=True)
    out_ref[...] = jnp.broadcast_to(col, (tok_per_w, 128))


@jax.jit
def kernel(input_ids, attention_mask, table):
    b, s = input_ids.shape
    n = b * s
    tok_per_w = n // NW
    ids = input_ids.reshape(n).astype(jnp.int32)

    mesh = plsc.VectorSubcoreMesh(core_axis_name="c", subcore_axis_name="s")
    emb = pl.kernel(
        functools.partial(_gather_body, tok_per_w),
        out_type=jax.ShapeDtypeStruct((n, OUT_W), jnp.float32),
        mesh=mesh,
        scratch_types=[
            pltpu.VMEM((tok_per_w,), jnp.int32),
            pltpu.VMEM((CHUNK, HID), jnp.float32),
            pltpu.VMEM((CHUNK, HID), jnp.float32),
            pltpu.SemaphoreType.DMA,
            pltpu.SemaphoreType.DMA,
        ],
    )(ids, table)

    maskt = attention_mask.reshape(NW, tok_per_w).T.astype(jnp.float32)
    out = pl.pallas_call(
        functools.partial(_mask_body, tok_per_w),
        grid=(NW,),
        in_specs=[
            pl.BlockSpec((tok_per_w, NW), lambda i: (0, 0)),
            pl.BlockSpec(memory_space=pl.ANY),
        ],
        out_specs=pl.BlockSpec((tok_per_w, 128), lambda i: (i, HID // 128)),
        out_shape=jax.ShapeDtypeStruct((n, OUT_W), jnp.float32),
        input_output_aliases={1: 0},
    )(maskt, emb)
    return out.reshape(b, s, OUT_W)

# --- scband reference (transcript-rebuilt; emitter-appended) ---
"""Pipeline reference for scband-l1-1194000908357 (READ-ONLY COPY).

The authoritative reference and input builder live on the scoring server;
editing this copy changes nothing except your own understanding.
"""

import jax, jax.numpy as jnp
import numpy as np

VOCAB = 100000
HID = 1024
B = 4
S = 4096
PAD = 0


def setup_inputs(seed: int = 0) -> dict:
    key = jax.random.key(seed)
    k1, k2 = jax.random.split(key)
    input_ids = jax.random.randint(k1, (B, S), 0, VOCAB)
    attention_mask = jnp.ones((B, S), dtype=input_ids.dtype)
    # learned embedding table (nn.Embedding weight), padding row zeroed like padding_idx
    table = jax.random.normal(k2, (VOCAB, HID), dtype=jnp.float32)
    table = table.at[PAD].set(0.0)
    return {"input_ids": input_ids, "attention_mask": attention_mask, "table": table}


def reference(input_ids, attention_mask, table):
    # embed_tokens(input_ids): gather rows of the embedding table
    inputs_embeds = jnp.take(table, input_ids, axis=0)  # [B, S, HID]
    hidden_states = inputs_embeds
    # torch.cat([hidden_states, attention_mask.to(hidden_states)[:, :, None]], 2)
    mask_f = attention_mask.astype(hidden_states.dtype)[:, :, None]  # [B, S, 1]
    packed = jnp.concatenate([hidden_states, mask_f], axis=2)  # [B, S, HID+1]
    return packed

if __name__ == "__main__":
    import jax
    _d = setup_inputs()
    print(jax.jit(kernel)(*tuple(_d.values())))

</pallas_src>

<mosaic_0001>
#map = affine_map<(d0, d1) -> (0)>
#map1 = affine_map<(d0, d1) -> (0, 0)>
module attributes {stable_mosaic.version = 14 : i64} {
  func.func @_gather_body(%arg0: i32, %arg1: i32, %arg2: memref<16384xi32, #tpu.memory_space<hbm>>, %arg3: memref<100000x1024xf32, #tpu.memory_space<hbm>>, %arg4: memref<16384x1025xf32, #tpu.memory_space<hbm>>, %arg5: memref<512xi32, #tpu.memory_space<vmem>>, %arg6: memref<32x1024xf32, #tpu.memory_space<vmem>>, %arg7: memref<32x1024xf32, #tpu.memory_space<vmem>>, %arg8: memref<!tpu.dma_semaphore, #tpu.memory_space<semaphore_mem>>, %arg9: memref<!tpu.dma_semaphore, #tpu.memory_space<semaphore_mem>>) attributes {dimension_semantics = [#tpu.dimension_semantics<core_parallel>, #tpu.dimension_semantics<subcore_parallel>], iteration_bounds = array<i64: 2, 16>, scalar_prefetch = 0 : i64, scratch_operands = 5 : i64, tpu.core_type = #tpu.core_type<sc_vector_subcore>, window_params = [{transform_indices = #map}, {transform_indices = #map1}, {transform_indices = #map1}]} {
    %mul3A = arith.constant 2 : i32
    %mul3A_0 = arith.muli %arg1, %mul3A : i32
    %add3A = arith.addi %mul3A_0, %arg0 : i32
    %mul3A_1 = arith.constant 512 : i32
    %mul3A_2 = arith.muli %add3A, %mul3A_1 : i32
    "tpu.region"() ({
      %run_scoped3A = tpu.sem_alloc : memref<!tpu.dma_semaphore, #tpu.memory_space<semaphore_mem>>
      %dma_start3A_193 = tpu.memref_slice %arg2[%mul3A_2] : memref<16384xi32, #tpu.memory_space<hbm>> -> memref<512xi32, #tpu.memory_space<hbm>>
      %dma_start3A_194 = tpu.memref_slice %arg2[%mul3A_2] : memref<16384xi32, #tpu.memory_space<hbm>> -> memref<512xi32, #tpu.memory_space<hbm>>
      tpu.enqueue_dma source(%dma_start3A_194 : memref<512xi32, #tpu.memory_space<hbm>>) target(%arg5 : memref<512xi32, #tpu.memory_space<vmem>>) target_semaphore(%run_scoped3A : memref<!tpu.dma_semaphore, #tpu.memory_space<semaphore_mem>>)
      %dma_wait3A_195 = tpu.memref_slice %arg2[%mul3A_2] : memref<16384xi32, #tpu.memory_space<hbm>> -> memref<512xi32, #tpu.memory_space<hbm>>
      %dma_wait3A_196 = tpu.memref_slice %arg2[%mul3A_2] : memref<16384xi32, #tpu.memory_space<hbm>> -> memref<512xi32, #tpu.memory_space<hbm>>
      tpu.wait_dma2 semaphore(%run_scoped3A : memref<!tpu.dma_semaphore, #tpu.memory_space<semaphore_mem>>) src(%dma_wait3A_196 : memref<512xi32, #tpu.memory_space<hbm>>) dst(%arg5 : memref<512xi32, #tpu.memory_space<vmem>>)
      tpu.yield
    }) : () -> ()
    %dma_start3A = arith.constant 0 : i32
    %dma_start3A_3 = tpu.memref_slice %arg5[%dma_start3A] : memref<512xi32, #tpu.memory_space<vmem>> -> memref<32xi32, #tpu.memory_space<vmem>>
    %dma_start3A_4 = arith.constant 0 : i32
    %dma_start3A_5 = arith.constant 0 : i32
    %dma_start3A_6 = tpu.memref_slice %arg3[%dma_start3A_4, %dma_start3A_5] : memref<100000x1024xf32, #tpu.memory_space<hbm>> -> memref<100000x1024xf32, #tpu.memory_space<hbm>>
    tpu.enqueue_indirect_dma source(%dma_start3A_6 : memref<100000x1024xf32, #tpu.memory_space<hbm>>) target(%arg6 : memref<32x1024xf32, #tpu.memory_space<vmem>>) offsets(%dma_start3A_3 : memref<32xi32, #tpu.memory_space<vmem>>) semaphore(%arg8 : memref<!tpu.dma_semaphore, #tpu.memory_space<semaphore_mem>>)
    %dma_start3A_7 = arith.constant 32 : i32
    %dma_start3A_8 = tpu.memref_slice %arg5[%dma_start3A_7] : memref<512xi32, #tpu.memory_space<vmem>> -> memref<32xi32, #tpu.memory_space<vmem>>
    %dma_start3A_9 = arith.constant 0 : i32
    %dma_start3A_10 = arith.constant 0 : i32
    %dma_start3A_11 = tpu.memref_slice %arg3[%dma_start3A_9, %dma_start3A_10] : memref<100000x1024xf32, #tpu.memory_space<hbm>> -> memref<100000x1024xf32, #tpu.memory_space<hbm>>
    tpu.enqueue_indirect_dma source(%dma_start3A_11 : memref<100000x1024xf32, #tpu.memory_space<hbm>>) target(%arg7 : memref<32x1024xf32, #tpu.memory_space<vmem>>) offsets(%dma_start3A_8 : memref<32xi32, #tpu.memory_space<vmem>>) semaphore(%arg9 : memref<!tpu.dma_semaphore, #tpu.memory_space<semaphore_mem>>)
    %dma_wait3A = arith.constant 0 : i32
    %dma_wait3A_12 = tpu.memref_slice %arg5[%dma_wait3A] : memref<512xi32, #tpu.memory_space<vmem>> -> memref<32xi32, #tpu.memory_space<vmem>>
    %dma_wait3A_13 = arith.constant 0 : i32
    %dma_wait3A_14 = arith.constant 0 : i32
    %dma_wait3A_15 = tpu.memref_slice %arg3[%dma_wait3A_13, %dma_wait3A_14] : memref<100000x1024xf32, #tpu.memory_space<hbm>> -> memref<100000x1024xf32, #tpu.memory_space<hbm>>
    tpu.wait_indirect_dma semaphore(%arg8 : memref<!tpu.dma_semaphore, #tpu.memory_space<semaphore_mem>>) src(%dma_wait3A_15 : memref<100000x1024xf32, #tpu.memory_space<hbm>>) dst(%arg6 : memref<32x1024xf32, #tpu.memory_space<vmem>>)
    %add3A_16 = arith.constant 0 : i32
    %add3A_17 = arith.addi %mul3A_2, %add3A_16 : i32
    "tpu.region"() ({
      %run_scoped3A = tpu.sem_alloc : memref<!tpu.dma_semaphore, #tpu.memory_space<semaphore_mem>>
      %dma_start3A_193 = arith.constant 0 : i32
      %dma_start3A_194 = tpu.memref_slice %arg4[%add3A_17, %dma_start3A_193] : memref<16384x1025xf32, #tpu.memory_space<hbm>> -> memref<32x1024xf32, #tpu.memory_space<hbm>>
      %dma_start3A_195 = arith.constant 0 : i32
      %dma_start3A_196 = tpu.memref_slice %arg4[%add3A_17, %dma_start3A_195] : memref<16384x1025xf32, #tpu.memory_space<hbm>> -> memref<32x1024xf32, #tpu.memory_space<hbm>>
      tpu.enqueue_dma source(%arg6 : memref<32x1024xf32, #tpu.memory_space<vmem>>) target(%dma_start3A_196 : memref<32x1024xf32, #tpu.memory_space<hbm>>) target_semaphore(%run_scoped3A : memref<!tpu.dma_semaphore, #tpu.memory_space<semaphore_mem>>)
      %dma_wait3A_197 = arith.constant 0 : i32
      %dma_wait3A_198 = tpu.memref_slice %arg4[%add3A_17, %dma_wait3A_197] : memref<16384x1025xf32, #tpu.memory_space<hbm>> -> memref<32x1024xf32, #tpu.memory_space<hbm>>
      %dma_wait3A_199 = arith.constant 0 : i32
      %dma_wait3A_200 = tpu.memref_slice %arg4[%add3A_17, %dma_wait3A_199] : memref<16384x1025xf32, #tpu.memory_space<hbm>> -> memref<32x1024xf32, #tpu.memory_space<hbm>>
      tpu.wait_dma2 semaphore(%run_scoped3A : memref<!tpu.dma_semaphore, #tpu.memory_space<semaphore_mem>>) src(%arg6 : memref<32x1024xf32, #tpu.memory_space<vmem>>) dst(%dma_wait3A_200 : memref<32x1024xf32, #tpu.memory_space<hbm>>)
      tpu.yield
    }) : () -> ()
    %dma_start3A_18 = arith.constant 64 : i32
    %dma_start3A_19 = tpu.memref_slice %arg5[%dma_start3A_18] : memref<512xi32, #tpu.memory_space<vmem>> -> memref<32xi32, #tpu.memory_space<vmem>>
    %dma_start3A_20 = arith.constant 0 : i32
    %dma_start3A_21 = arith.constant 0 : i32
    %dma_start3A_22 = tpu.memref_slice %arg3[%dma_start3A_20, %dma_start3A_21] : memref<100000x1024xf32, #tpu.memory_space<hbm>> -> memref<100000x1024xf32, #tpu.memory_space<hbm>>
    tpu.enqueue_indirect_dma source(%dma_start3A_22 : memref<100000x1024xf32, #tpu.memory_space<hbm>>) target(%arg6 : memref<32x1024xf32, #tpu.memory_space<vmem>>) offsets(%dma_start3A_19 : memref<32xi32, #tpu.memory_space<vmem>>) semaphore(%arg8 : memref<!tpu.dma_semaphore, #tpu.memory_space<semaphore_mem>>)
    %dma_wait3A_23 = arith.constant 32 : i32
    %dma_wait3A_24 = tpu.memref_slice %arg5[%dma_wait3A_23] : memref<512xi32, #tpu.memory_space<vmem>> -> memref<32xi32, #tpu.memory_space<vmem>>
    %dma_wait3A_25 = arith.constant 0 : i32
    %dma_wait3A_26 = arith.constant 0 : i32
    %dma_wait3A_27 = tpu.memref_slice %arg3[%dma_wait3A_25, %dma_wait3A_26] : memref<100000x1024xf32, #tpu.memory_space<hbm>> -> memref<100000x1024xf32, #tpu.memory_space<hbm>>
    tpu.wait_indirect_dma semaphore(%arg9 : memref<!tpu.dma_semaphore, #tpu.memory_space<semaphore_mem>>) src(%dma_wait3A_27 : memref<100000x1024xf32, #tpu.memory_space<hbm>>) dst(%arg7 : memref<32x1024xf32, #tpu.memory_space<vmem>>)
    %add3A_28 = arith.constant 32 : i32
    %add3A_29 = arith.addi %mul3A_2, %add3A_28 : i32
    "tpu.region"() ({
      %run_scoped3A = tpu.sem_alloc : memref<!tpu.dma_semaphore, #tpu.memory_space<semaphore_mem>>
      %dma_start3A_193 = arith.constant 0 : i32
      %dma_start3A_194 = tpu.memref_slice %arg4[%add3A_29, %dma_start3A_193] : memref<16384x1025xf32, #tpu.memory_space<hbm>> -> memref<32x1024xf32, #tpu.memory_space<hbm>>
      %dma_start3A_195 = arith.constant 0 : i32
      %dma_start3A_196 = tpu.memref_slice %arg4[%add3A_29, %dma_start3A_195] : memref<16384x1025xf32, #tpu.memory_space<hbm>> -> memref<32x1024xf32, #tpu.memory_space<hbm>>
      tpu.enqueue_dma source(%arg7 : memref<32x1024xf32, #tpu.memory_space<vmem>>) target(%dma_start3A_196 : memref<32x1024xf32, #tpu.memory_space<hbm>>) target_semaphore(%run_scoped3A : memref<!tpu.dma_semaphore, #tpu.memory_space<semaphore_mem>>)
      %dma_wait3A_197 = arith.constant 0 : i32
      %dma_wait3A_198 = tpu.memref_slice %arg4[%add3A_29, %dma_wait3A_197] : memref<16384x1025xf32, #tpu.memory_space<hbm>> -> memref<32x1024xf32, #tpu.memory_space<hbm>>
      %dma_wait3A_199 = arith.constant 0 : i32
      %dma_wait3A_200 = tpu.memref_slice %arg4[%add3A_29, %dma_wait3A_199] : memref<16384x1025xf32, #tpu.memory_space<hbm>> -> memref<32x1024xf32, #tpu.memory_space<hbm>>
      tpu.wait_dma2 semaphore(%run_scoped3A : memref<!tpu.dma_semaphore, #tpu.memory_space<semaphore_mem>>) src(%arg7 : memref<32x1024xf32, #tpu.memory_space<vmem>>) dst(%dma_wait3A_200 : memref<32x1024xf32, #tpu.memory_space<hbm>>)
      tpu.yield
    }) : () -> ()
    %dma_start3A_30 = arith.constant 96 : i32
    %dma_start3A_31 = tpu.memref_slice %arg5[%dma_start3A_30] : memref<512xi32, #tpu.memory_space<vmem>> -> memref<32xi32, #tpu.memory_space<vmem>>
    %dma_start3A_32 = arith.constant 0 : i32
    %dma_start3A_33 = arith.constant 0 : i32
    %dma_start3A_34 = tpu.memref_slice %arg3[%dma_start3A_32, %dma_start3A_33] : memref<100000x1024xf32, #tpu.memory_space<hbm>> -> memref<100000x1024xf32, #tpu.memory_space<hbm>>
    tpu.enqueue_indirect_dma source(%dma_start3A_34 : memref<100000x1024xf32, #tpu.memory_space<hbm>>) target(%arg7 : memref<32x1024xf32, #tpu.memory_space<vmem>>) offsets(%dma_start3A_31 : memref<32xi32, #tpu.memory_space<vmem>>) semaphore(%arg9 : memref<!tpu.dma_semaphore, #tpu.memory_space<semaphore_mem>>)
    %dma_wait3A_35 = arith.constant 64 : i32
    %dma_wait3A_36 = tpu.memref_slice %arg5[%dma_wait3A_35] : memref<512xi32, #tpu.memory_space<vmem>> -> memref<32xi32, #tpu.memory_space<vmem>>
    %dma_wait3A_37 = arith.constant 0 : i32
    %dma_wait3A_38 = arith.constant 0 : i32
    %dma_wait3A_39 = tpu.memref_slice %arg3[%dma_wait3A_37, %dma_wait3A_38] : memref<100000x1024xf32, #tpu.memory_space<hbm>> -> memref<100000x1024xf32, #tpu.memory_space<hbm>>
    tpu.wait_indirect_dma semaphore(%arg8 : memref<!tpu.dma_semaphore, #tpu.memory_space<semaphore_mem>>) src(%dma_wait3A_39 : memref<100000x1024xf32, #tpu.memory_space<hbm>>) dst(%arg6 : memref<32x1024xf32, #tpu.memory_space<vmem>>)
    %add3A_40 = arith.constant 64 : i32
    %add3A_41 = arith.addi %mul3A_2, %add3A_40 : i32
    "tpu.region"() ({
      %run_scoped3A = tpu.sem_alloc : memref<!tpu.dma_semaphore, #tpu.memory_space<semaphore_mem>>
      %dma_start3A_193 = arith.constant 0 : i32
      %dma_start3A_194 = tpu.memref_slice %arg4[%add3A_41, %dma_start3A_193] : memref<16384x1025xf32, #tpu.memory_space<hbm>> -> memref<32x1024xf32, #tpu.memory_space<hbm>>
      %dma_start3A_195 = arith.constant 0 : i32
      %dma_start3A_196 = tpu.memref_slice %arg4[%add3A_41, %dma_start3A_195] : memref<16384x1025xf32, #tpu.memory_space<hbm>> -> memref<32x1024xf32, #tpu.memory_space<hbm>>
      tpu.enqueue_dma source(%arg6 : memref<32x1024xf32, #tpu.memory_space<vmem>>) target(%dma_start3A_196 : memref<32x1024xf32, #tpu.memory_space<hbm>>) target_semaphore(%run_scoped3A : memref<!tpu.dma_semaphore, #tpu.memory_space<semaphore_mem>>)
      %dma_wait3A_197 = arith.constant 0 : i32
      %dma_wait3A_198 = tpu.memref_slice %arg4[%add3A_41, %dma_wait3A_197] : memref<16384x1025xf32, #tpu.memory_space<hbm>> -> memref<32x1024xf32, #tpu.memory_space<hbm>>
      %dma_wait3A_199 = arith.constant 0 : i32
      %dma_wait3A_200 = tpu.memref_slice %arg4[%add3A_41, %dma_wait3A_199] : memref<16384x1025xf32, #tpu.memory_space<hbm>> -> memref<32x1024xf32, #tpu.memory_space<hbm>>
      tpu.wait_dma2 semaphore(%run_scoped3A : memref<!tpu.dma_semaphore, #tpu.memory_space<semaphore_mem>>) src(%arg6 : memref<32x1024xf32, #tpu.memory_space<vmem>>) dst(%dma_wait3A_200 : memref<32x1024xf32, #tpu.memory_space<hbm>>)
      tpu.yield
    }) : () -> ()
    %dma_start3A_42 = arith.constant 128 : i32
    %dma_start3A_43 = tpu.memref_slice %arg5[%dma_start3A_42] : memref<512xi32, #tpu.memory_space<vmem>> -> memref<32xi32, #tpu.memory_space<vmem>>
    %dma_start3A_44 = arith.constant 0 : i32
    %dma_start3A_45 = arith.constant 0 : i32
    %dma_start3A_46 = tpu.memref_slice %arg3[%dma_start3A_44, %dma_start3A_45] : memref<100000x1024xf32, #tpu.memory_space<hbm>> -> memref<100000x1024xf32, #tpu.memory_space<hbm>>
    tpu.enqueue_indirect_dma source(%dma_start3A_46 : memref<100000x1024xf32, #tpu.memory_space<hbm>>) target(%arg6 : memref<32x1024xf32, #tpu.memory_space<vmem>>) offsets(%dma_start3A_43 : memref<32xi32, #tpu.memory_space<vmem>>) semaphore(%arg8 : memref<!tpu.dma_semaphore, #tpu.memory_space<semaphore_mem>>)
    %dma_wait3A_47 = arith.constant 96 : i32
    %dma_wait3A_48 = tpu.memref_slice %arg5[%dma_wait3A_47] : memref<512xi32, #tpu.memory_space<vmem>> -> memref<32xi32, #tpu.memory_space<vmem>>
    %dma_wait3A_49 = arith.constant 0 : i32
    %dma_wait3A_50 = arith.constant 0 : i32
    %dma_wait3A_51 = tpu.memref_slice %arg3[%dma_wait3A_49, %dma_wait3A_50] : memref<100000x1024xf32, #tpu.memory_space<hbm>> -> memref<100000x1024xf32, #tpu.memory_space<hbm>>
    tpu.wait_indirect_dma semaphore(%arg9 : memref<!tpu.dma_semaphore, #tpu.memory_space<semaphore_mem>>) src(%dma_wait3A_51 : memref<100000x1024xf32, #tpu.memory_space<hbm>>) dst(%arg7 : memref<32x1024xf32, #tpu.memory_space<vmem>>)
    %add3A_52 = arith.constant 96 : i32
    %add3A_53 = arith.addi %mul3A_2, %add3A_52 : i32
    "tpu.region"() ({
      %run_scoped3A = tpu.sem_alloc : memref<!tpu.dma_semaphore, #tpu.memory_space<semaphore_mem>>
      %dma_start3A_193 = arith.constant 0 : i32
      %dma_start3A_194 = tpu.memref_slice %arg4[%add3A_53, %dma_start3A_193] : memref<16384x1025xf32, #tpu.memory_space<hbm>> -> memref<32x1024xf32, #tpu.memory_space<hbm>>
      %dma_start3A_195 = arith.constant 0 : i32
      %dma_start3A_196 = tpu.memref_slice %arg4[%add3A_53, %dma_start3A_195] : memref<16384x1025xf32, #tpu.memory_space<hbm>> -> memref<32x1024xf32, #tpu.memory_space<hbm>>
      tpu.enqueue_dma source(%arg7 : memref<32x1024xf32, #tpu.memory_space<vmem>>) target(%dma_start3A_196 : memref<32x1024xf32, #tpu.memory_space<hbm>>) target_semaphore(%run_scoped3A : memref<!tpu.dma_semaphore, #tpu.memory_space<semaphore_mem>>)
      %dma_wait3A_197 = arith.constant 0 : i32
      %dma_wait3A_198 = tpu.memref_slice %arg4[%add3A_53, %dma_wait3A_197] : memref<16384x1025xf32, #tpu.memory_space<hbm>> -> memref<32x1024xf32, #tpu.memory_space<hbm>>
      %dma_wait3A_199 = arith.constant 0 : i32
      %dma_wait3A_200 = tpu.memref_slice %arg4[%add3A_53, %dma_wait3A_199] : memref<16384x1025xf32, #tpu.memory_space<hbm>> -> memref<32x1024xf32, #tpu.memory_space<hbm>>
      tpu.wait_dma2 semaphore(%run_scoped3A : memref<!tpu.dma_semaphore, #tpu.memory_space<semaphore_mem>>) src(%arg7 : memref<32x1024xf32, #tpu.memory_space<vmem>>) dst(%dma_wait3A_200 : memref<32x1024xf32, #tpu.memory_space<hbm>>)
      tpu.yield
    }) : () -> ()
    %dma_start3A_54 = arith.constant 160 : i32
    %dma_start3A_55 = tpu.memref_slice %arg5[%dma_start3A_54] : memref<512xi32, #tpu.memory_space<vmem>> -> memref<32xi32, #tpu.memory_space<vmem>>
    %dma_start3A_56 = arith.constant 0 : i32
    %dma_start3A_57 = arith.constant 0 : i32
    %dma_start3A_58 = tpu.memref_slice %arg3[%dma_start3A_56, %dma_start3A_57] : memref<100000x1024xf32, #tpu.memory_space<hbm>> -> memref<100000x1024xf32, #tpu.memory_space<hbm>>
    tpu.enqueue_indirect_dma source(%dma_start3A_58 : memref<100000x1024xf32, #tpu.memory_space<hbm>>) target(%arg7 : memref<32x1024xf32, #tpu.memory_space<vmem>>) offsets(%dma_start3A_55 : memref<32xi32, #tpu.memory_space<vmem>>) semaphore(%arg9 : memref<!tpu.dma_semaphore, #tpu.memory_space<semaphore_mem>>)
    %dma_wait3A_59 = arith.constant 128 : i32
    %dma_wait3A_60 = tpu.memref_slice %arg5[%dma_wait3A_59] : memref<512xi32, #tpu.memory_space<vmem>> -> memref<32xi32, #tpu.memory_space<vmem>>
    %dma_wait3A_61 = arith.constant 0 : i32
    %dma_wait3A_62 = arith.constant 0 : i32
    %dma_wait3A_63 = tpu.memref_slice %arg3[%dma_wait3A_61, %dma_wait3A_62] : memref<100000x1024xf32, #tpu.memory_space<hbm>> -> memref<100000x1024xf32, #tpu.memory_space<hbm>>
    tpu.wait_indirect_dma semaphore(%arg8 : memref<!tpu.dma_semaphore, #tpu.memory_space<semaphore_mem>>) src(%dma_wait3A_63 : memref<100000x1024xf32, #tpu.memory_space<hbm>>) dst(%arg6 : memref<32x1024xf32, #tpu.memory_space<vmem>>)
    %add3A_64 = arith.constant 128 : i32
    %add3A_65 = arith.addi %mul3A_2, %add3A_64 : i32
    "tpu.region"() ({
      %run_scoped3A = tpu.sem_alloc : memref<!tpu.dma_semaphore, #tpu.memory_space<semaphore_mem>>
      %dma_start3A_193 = arith.constant 0 : i32
      %dma_start3A_194 = tpu.memref_slice %arg4[%add3A_65, %dma_start3A_193] : memref<16384x1025xf32, #tpu.memory_space<hbm>> -> memref<32x1024xf32, #tpu.memory_space<hbm>>
      %dma_start3A_195 = arith.constant 0 : i32
      %dma_start3A_196 = tpu.memref_slice %arg4[%add3A_65, %dma_start3A_195] : memref<16384x1025xf32, #tpu.memory_space<hbm>> -> memref<32x1024xf32, #tpu.memory_space<hbm>>
      tpu.enqueue_dma source(%arg6 : memref<32x1024xf32, #tpu.memory_space<vmem>>) target(%dma_start3A_196 : memref<32x1024xf32, #tpu.memory_space<hbm>>) target_semaphore(%run_scoped3A : memref<!tpu.dma_semaphore, #tpu.memory_space<semaphore_mem>>)
      %dma_wait3A_197 = arith.constant 0 : i32
      %dma_wait3A_198 = tpu.memref_slice %arg4[%add3A_65, %dma_wait3A_197] : memref<16384x1025xf32, #tpu.memory_space<hbm>> -> memref<32x1024xf32, #tpu.memory_space<hbm>>
      %dma_wait3A_199 = arith.constant 0 : i32
      %dma_wait3A_200 = tpu.memref_slice %arg4[%add3A_65, %dma_wait3A_199] : memref<16384x1025xf32, #tpu.memory_space<hbm>> -> memref<32x1024xf32, #tpu.memory_space<hbm>>
      tpu.wait_dma2 semaphore(%run_scoped3A : memref<!tpu.dma_semaphore, #tpu.memory_space<semaphore_mem>>) src(%arg6 : memref<32x1024xf32, #tpu.memory_space<vmem>>) dst(%dma_wait3A_200 : memref<32x1024xf32, #tpu.memory_space<hbm>>)
      tpu.yield
    }) : () -> ()
    %dma_start3A_66 = arith.constant 192 : i32
    %dma_start3A_67 = tpu.memref_slice %arg5[%dma_start3A_66] : memref<512xi32, #tpu.memory_space<vmem>> -> memref<32xi32, #tpu.memory_space<vmem>>
    %dma_start3A_68 = arith.constant 0 : i32
    %dma_start3A_69 = arith.constant 0 : i32
    %dma_start3A_70 = tpu.memref_slice %arg3[%dma_start3A_68, %dma_start3A_69] : memref<100000x1024xf32, #tpu.memory_space<hbm>> -> memref<100000x1024xf32, #tpu.memory_space<hbm>>
    tpu.enqueue_indirect_dma source(%dma_start3A_70 : memref<100000x1024xf32, #tpu.memory_space<hbm>>) target(%arg6 : memref<32x1024xf32, #tpu.memory_space<vmem>>) offsets(%dma_start3A_67 : memref<32xi32, #tpu.memory_space<vmem>>) semaphore(%arg8 : memref<!tpu.dma_semaphore, #tpu.memory_space<semaphore_mem>>)
    %dma_wait3A_71 = arith.constant 160 : i32
    %dma_wait3A_72 = tpu.memref_slice %arg5[%dma_wait3A_71] : memref<512xi32, #tpu.memory_space<vmem>> -> memref<32xi32, #tpu.memory_space<vmem>>
    %dma_wait3A_73 = arith.constant 0 : i32
    %dma_wait3A_74 = arith.constant 0 : i32
    %dma_wait3A_75 = tpu.memref_slice %arg3[%dma_wait3A_73, %dma_wait3A_74] : memref<100000x1024xf32, #tpu.memory_space<hbm>> -> memref<100000x1024xf32, #tpu.memory_space<hbm>>
    tpu.wait_indirect_dma semaphore(%arg9 : memref<!tpu.dma_semaphore, #tpu.memory_space<semaphore_mem>>) src(%dma_wait3A_75 : memref<100000x1024xf32, #tpu.memory_space<hbm>>) dst(%arg7 : memref<32x1024xf32, #tpu.memory_space<vmem>>)
    %add3A_76 = arith.constant 160 : i32
    %add3A_77 = arith.addi %mul3A_2, %add3A_76 : i32
    "tpu.region"() ({
      %run_scoped3A = tpu.sem_alloc : memref<!tpu.dma_semaphore, #tpu.memory_space<semaphore_mem>>
      %dma_start3A_193 = arith.constant 0 : i32
      %dma_start3A_194 = tpu.memref_slice %arg4[%add3A_77, %dma_start3A_193] : memref<16384x1025xf32, #tpu.memory_space<hbm>> -> memref<32x1024xf32, #tpu.memory_space<hbm>>
      %dma_start3A_195 = arith.constant 0 : i32
      %dma_start3A_196 = tpu.memref_slice %arg4[%add3A_77, %dma_start3A_195] : memref<16384x1025xf32, #tpu.memory_space<hbm>> -> memref<32x1024xf32, #tpu.memory_space<hbm>>
      tpu.enqueue_dma source(%arg7 : memref<32x1024xf32, #tpu.memory_space<vmem>>) target(%dma_start3A_196 : memref<32x1024xf32, #tpu.memory_space<hbm>>) target_semaphore(%run_scoped3A : memref<!tpu.dma_semaphore, #tpu.memory_space<semaphore_mem>>)
      %dma_wait3A_197 = arith.constant 0 : i32
      %dma_wait3A_198 = tpu.memref_slice %arg4[%add3A_77, %dma_wait3A_197] : memref<16384x1025xf32, #tpu.memory_space<hbm>> -> memref<32x1024xf32, #tpu.memory_space<hbm>>
      %dma_wait3A_199 = arith.constant 0 : i32
      %dma_wait3A_200 = tpu.memref_slice %arg4[%add3A_77, %dma_wait3A_199] : memref<16384x1025xf32, #tpu.memory_space<hbm>> -> memref<32x1024xf32, #tpu.memory_space<hbm>>
      tpu.wait_dma2 semaphore(%run_scoped3A : memref<!tpu.dma_semaphore, #tpu.memory_space<semaphore_mem>>) src(%arg7 : memref<32x1024xf32, #tpu.memory_space<vmem>>) dst(%dma_wait3A_200 : memref<32x1024xf32, #tpu.memory_space<hbm>>)
      tpu.yield
    }) : () -> ()
    %dma_start3A_78 = arith.constant 224 : i32
    %dma_start3A_79 = tpu.memref_slice %arg5[%dma_start3A_78] : memref<512xi32, #tpu.memory_space<vmem>> -> memref<32xi32, #tpu.memory_space<vmem>>
    %dma_start3A_80 = arith.constant 0 : i32
    %dma_start3A_81 = arith.constant 0 : i32
    %dma_start3A_82 = tpu.memref_slice %arg3[%dma_start3A_80, %dma_start3A_81] : memref<100000x1024xf32, #tpu.memory_space<hbm>> -> memref<100000x1024xf32, #tpu.memory_space<hbm>>
    tpu.enqueue_indirect_dma source(%dma_start3A_82 : memref<100000x1024xf32, #tpu.memory_space<hbm>>) target(%arg7 : memref<32x1024xf32, #tpu.memory_space<vmem>>) offsets(%dma_start3A_79 : memref<32xi32, #tpu.memory_space<vmem>>) semaphore(%arg9 : memref<!tpu.dma_semaphore, #tpu.memory_space<semaphore_mem>>)
    %dma_wait3A_83 = arith.constant 192 : i32
    %dma_wait3A_84 = tpu.memref_slice %arg5[%dma_wait3A_83] : memref<512xi32, #tpu.memory_space<vmem>> -> memref<32xi32, #tpu.memory_space<vmem>>
    %dma_wait3A_85 = arith.constant 0 : i32
    %dma_wait3A_86 = arith.constant 0 : i32
    %dma_wait3A_87 = tpu.memref_slice %arg3[%dma_wait3A_85, %dma_wait3A_86] : memref<100000x1024xf32, #tpu.memory_space<hbm>> -> memref<100000x1024xf32, #tpu.memory_space<hbm>>
    tpu.wait_indirect_dma semaphore(%arg8 : memref<!tpu.dma_semaphore, #tpu.memory_space<semaphore_mem>>) src(%dma_wait3A_87 : memref<100000x1024xf32, #tpu.memory_space<hbm>>) dst(%arg6 : memref<32x1024xf32, #tpu.memory_space<vmem>>)
    %add3A_88 = arith.constant 192 : i32
    %add3A_89 = arith.addi %mul3A_2, %add3A_88 : i32
    "tpu.region"() ({
      %run_scoped3A = tpu.sem_alloc : memref<!tpu.dma_semaphore, #tpu.memory_space<semaphore_mem>>
      %dma_start3A_193 = arith.constant 0 : i32
      %dma_start3A_194 = tpu.memref_slice %arg4[%add3A_89, %dma_start3A_193] : memref<16384x1025xf32, #tpu.memory_space<hbm>> -> memref<32x1024xf32, #tpu.memory_space<hbm>>
      %dma_start3A_195 = arith.constant 0 : i32
      %dma_start3A_196 = tpu.memref_slice %arg4[%add3A_89, %dma_start3A_195] : memref<16384x1025xf32, #tpu.memory_space<hbm>> -> memref<32x1024xf32, #tpu.memory_space<hbm>>
      tpu.enqueue_dma source(%arg6 : memref<32x1024xf32, #tpu.memory_space<vmem>>) target(%dma_start3A_196 : memref<32x1024xf32, #tpu.memory_space<hbm>>) target_semaphore(%run_scoped3A : memref<!tpu.dma_semaphore, #tpu.memory_space<semaphore_mem>>)
      %dma_wait3A_197 = arith.constant 0 : i32
      %dma_wait3A_198 = tpu.memref_slice %arg4[%add3A_89, %dma_wait3A_197] : memref<16384x1025xf32, #tpu.memory_space<hbm>> -> memref<32x1024xf32, #tpu.memory_space<hbm>>
      %dma_wait3A_199 = arith.constant 0 : i32
      %dma_wait3A_200 = tpu.memref_slice %arg4[%add3A_89, %dma_wait3A_199] : memref<16384x1025xf32, #tpu.memory_space<hbm>> -> memref<32x1024xf32, #tpu.memory_space<hbm>>
      tpu.wait_dma2 semaphore(%run_scoped3A : memref<!tpu.dma_semaphore, #tpu.memory_space<semaphore_mem>>) src(%arg6 : memref<32x1024xf32, #tpu.memory_space<vmem>>) dst(%dma_wait3A_200 : memref<32x1024xf32, #tpu.memory_space<hbm>>)
      tpu.yield
    }) : () -> ()
    %dma_start3A_90 = arith.constant 256 : i32
    %dma_start3A_91 = tpu.memref_slice %arg5[%dma_start3A_90] : memref<512xi32, #tpu.memory_space<vmem>> -> memref<32xi32, #tpu.memory_space<vmem>>
    %dma_start3A_92 = arith.constant 0 : i32
    %dma_start3A_93 = arith.constant 0 : i32
    %dma_start3A_94 = tpu.memref_slice %arg3[%dma_start3A_92, %dma_start3A_93] : memref<100000x1024xf32, #tpu.memory_space<hbm>> -> memref<100000x1024xf32, #tpu.memory_space<hbm>>
    tpu.enqueue_indirect_dma source(%dma_start3A_94 : memref<100000x1024xf32, #tpu.memory_space<hbm>>) target(%arg6 : memref<32x1024xf32, #tpu.memory_space<vmem>>) offsets(%dma_start3A_91 : memref<32xi32, #tpu.memory_space<vmem>>) semaphore(%arg8 : memref<!tpu.dma_semaphore, #tpu.memory_space<semaphore_mem>>)
    %dma_wait3A_95 = arith.constant 224 : i32
    %dma_wait3A_96 = tpu.memref_slice %arg5[%dma_wait3A_95] : memref<512xi32, #tpu.memory_space<vmem>> -> memref<32xi32, #tpu.memory_space<vmem>>
    %dma_wait3A_97 = arith.constant 0 : i32
    %dma_wait3A_98 = arith.constant 0 : i32
    %dma_wait3A_99 = tpu.memref_slice %arg3[%dma_wait3A_97, %dma_wait3A_98] : memref<100000x1024xf32, #tpu.memory_space<hbm>> -> memref<100000x1024xf32, #tpu.memory_space<hbm>>
    tpu.wait_indirect_dma semaphore(%arg9 : memref<!tpu.dma_semaphore, #tpu.memory_space<semaphore_mem>>) src(%dma_wait3A_99 : memref<100000x1024xf32, #tpu.memory_space<hbm>>) dst(%arg7 : memref<32x1024xf32, #tpu.memory_space<vmem>>)
    %add3A_100 = arith.constant 224 : i32
    %add3A_101 = arith.addi %mul3A_2, %add3A_100 : i32
    "tpu.region"() ({
      %run_scoped3A = tpu.sem_alloc : memref<!tpu.dma_semaphore, #tpu.memory_space<semaphore_mem>>
      %dma_start3A_193 = arith.constant 0 : i32
      %dma_start3A_194 = tpu.memref_slice %arg4[%add3A_101, %dma_start3A_193] : memref<16384x1025xf32, #tpu.memory_space<hbm>> -> memref<32x1024xf32, #tpu.memory_space<hbm>>
      %dma_start3A_195 = arith.constant 0 : i32
      %dma_start3A_196 = tpu.memref_slice %arg4[%add3A_101, %dma_start3A_195] : memref<16384x1025xf32, #tpu.memory_space<hbm>> -> memref<32x1024xf32, #tpu.memory_space<hbm>>
      tpu.enqueue_dma source(%arg7 : memref<32x1024xf32, #tpu.memory_space<vmem>>) target(%dma_start3A_196 : memref<32x1024xf32, #tpu.memory_space<hbm>>) target_semaphore(%run_scoped3A : memref<!tpu.dma_semaphore, #tpu.memory_space<semaphore_mem>>)
      %dma_wait3A_197 = arith.constant 0 : i32
      %dma_wait3A_198 = tpu.memref_slice %arg4[%add3A_101, %dma_wait3A_197] : memref<16384x1025xf32, #tpu.memory_space<hbm>> -> memref<32x1024xf32, #tpu.memory_space<hbm>>
      %dma_wait3A_199 = arith.constant 0 : i32
      %dma_wait3A_200 = tpu.memref_slice %arg4[%add3A_101, %dma_wait3A_199] : memref<16384x1025xf32, #tpu.memory_space<hbm>> -> memref<32x1024xf32, #tpu.memory_space<hbm>>
      tpu.wait_dma2 semaphore(%run_scoped3A : memref<!tpu.dma_semaphore, #tpu.memory_space<semaphore_mem>>) src(%arg7 : memref<32x1024xf32, #tpu.memory_space<vmem>>) dst(%dma_wait3A_200 : memref<32x1024xf32, #tpu.memory_space<hbm>>)
      tpu.yield
    }) : () -> ()
    %dma_start3A_102 = arith.constant 288 : i32
    %dma_start3A_103 = tpu.memref_slice %arg5[%dma_start3A_102] : memref<512xi32, #tpu.memory_space<vmem>> -> memref<32xi32, #tpu.memory_space<vmem>>
    %dma_start3A_104 = arith.constant 0 : i32
    %dma_start3A_105 = arith.constant 0 : i32
    %dma_start3A_106 = tpu.memref_slice %arg3[%dma_start3A_104, %dma_start3A_105] : memref<100000x1024xf32, #tpu.memory_space<hbm>> -> memref<100000x1024xf32, #tpu.memory_space<hbm>>
    tpu.enqueue_indirect_dma source(%dma_start3A_106 : memref<100000x1024xf32, #tpu.memory_space<hbm>>) target(%arg7 : memref<32x1024xf32, #tpu.memory_space<vmem>>) offsets(%dma_start3A_103 : memref<32xi32, #tpu.memory_space<vmem>>) semaphore(%arg9 : memref<!tpu.dma_semaphore, #tpu.memory_space<semaphore_mem>>)
    %dma_wait3A_107 = arith.constant 256 : i32
    %dma_wait3A_108 = tpu.memref_slice %arg5[%dma_wait3A_107] : memref<512xi32, #tpu.memory_space<vmem>> -> memref<32xi32, #tpu.memory_space<vmem>>
    %dma_wait3A_109 = arith.constant 0 : i32
    %dma_wait3A_110 = arith.constant 0 : i32
    %dma_wait3A_111 = tpu.memref_slice %arg3[%dma_wait3A_109, %dma_wait3A_110] : memref<100000x1024xf32, #tpu.memory_space<hbm>> -> memref<100000x1024xf32, #tpu.memory_space<hbm>>
    tpu.wait_indirect_dma semaphore(%arg8 : memref<!tpu.dma_semaphore, #tpu.memory_space<semaphore_mem>>) src(%dma_wait3A_111 : memref<100000x1024xf32, #tpu.memory_space<hbm>>) dst(%arg6 : memref<32x1024xf32, #tpu.memory_space<vmem>>)
    %add3A_112 = arith.constant 256 : i32
    %add3A_113 = arith.addi %mul3A_2, %add3A_112 : i32
    "tpu.region"() ({
      %run_scoped3A = tpu.sem_alloc : memref<!tpu.dma_semaphore, #tpu.memory_space<semaphore_mem>>
      %dma_start3A_193 = arith.constant 0 : i32
      %dma_start3A_194 = tpu.memref_slice %arg4[%add3A_113, %dma_start3A_193] : memref<16384x1025xf32, #tpu.memory_space<hbm>> -> memref<32x1024xf32, #tpu.memory_space<hbm>>
      %dma_start3A_195 = arith.constant 0 : i32
      %dma_start3A_196 = tpu.memref_slice %arg4[%add3A_113, %dma_start3A_195] : memref<16384x1025xf32, #tpu.memory_space<hbm>> -> memref<32x1024xf32, #tpu.memory_space<hbm>>
      tpu.enqueue_dma source(%arg6 : memref<32x1024xf32, #tpu.memory_space<vmem>>) target(%dma_start3A_196 : memref<32x1024xf32, #tpu.memory_space<hbm>>) target_semaphore(%run_scoped3A : memref<!tpu.dma_semaphore, #tpu.memory_space<semaphore_mem>>)
      %dma_wait3A_197 = arith.constant 0 : i32
      %dma_wait3A_198 = tpu.memref_slice %arg4[%add3A_113, %dma_wait3A_197] : memref<16384x1025xf32, #tpu.memory_space<hbm>> -> memref<32x1024xf32, #tpu.memory_space<hbm>>
      %dma_wait3A_199 = arith.constant 0 : i32
      %dma_wait3A_200 = tpu.memref_slice %arg4[%add3A_113, %dma_wait3A_199] : memref<16384x1025xf32, #tpu.memory_space<hbm>> -> memref<32x1024xf32, #tpu.memory_space<hbm>>
      tpu.wait_dma2 semaphore(%run_scoped3A : memref<!tpu.dma_semaphore, #tpu.memory_space<semaphore_mem>>) src(%arg6 : memref<32x1024xf32, #tpu.memory_space<vmem>>) dst(%dma_wait3A_200 : memref<32x1024xf32, #tpu.memory_space<hbm>>)
      tpu.yield
    }) : () -> ()
    %dma_start3A_114 = arith.constant 320 : i32
    %dma_start3A_115 = tpu.memref_slice %arg5[%dma_start3A_114] : memref<512xi32, #tpu.memory_space<vmem>> -> memref<32xi32, #tpu.memory_space<vmem>>
    %dma_start3A_116 = arith.constant 0 : i32
    %dma_start3A_117 = arith.constant 0 : i32
    %dma_start3A_118 = tpu.memref_slice %arg3[%dma_start3A_116, %dma_start3A_117] : memref<100000x1024xf32, #tpu.memory_space<hbm>> -> memref<100000x1024xf32, #tpu.memory_space<hbm>>
    tpu.enqueue_indirect_dma source(%dma_start3A_118 : memref<100000x1024xf32, #tpu.memory_space<hbm>>) target(%arg6 : memref<32x1024xf32, #tpu.memory_space<vmem>>) offsets(%dma_start3A_115 : memref<32xi32, #tpu.memory_space<vmem>>) semaphore(%arg8 : memref<!tpu.dma_semaphore, #tpu.memory_space<semaphore_mem>>)
    %dma_wait3A_119 = arith.constant 288 : i32
    %dma_wait3A_120 = tpu.memref_slice %arg5[%dma_wait3A_119] : memref<512xi32, #tpu.memory_space<vmem>> -> memref<32xi32, #tpu.memory_space<vmem>>
    %dma_wait3A_121 = arith.constant 0 : i32
    %dma_wait3A_122 = arith.constant 0 : i32
    %dma_wait3A_123 = tpu.memref_slice %arg3[%dma_wait3A_121, %dma_wait3A_122] : memref<100000x1024xf32, #tpu.memory_space<hbm>> -> memref<100000x1024xf32, #tpu.memory_space<hbm>>
    tpu.wait_indirect_dma semaphore(%arg9 : memref<!tpu.dma_semaphore, #tpu.memory_space<semaphore_mem>>) src(%dma_wait3A_123 : memref<100000x1024xf32, #tpu.memory_space<hbm>>) dst(%arg7 : memref<32x1024xf32, #tpu.memory_space<vmem>>)
    %add3A_124 = arith.constant 288 : i32
    %add3A_125 = arith.addi %mul3A_2, %add3A_124 : i32
    "tpu.region"() ({
      %run_scoped3A = tpu.sem_alloc : memref<!tpu.dma_semaphore, #tpu.memory_space<semaphore_mem>>
      %dma_start3A_193 = arith.constant 0 : i32
      %dma_start3A_194 = tpu.memref_slice %arg4[%add3A_125, %dma_start3A_193] : memref<16384x1025xf32, #tpu.memory_space<hbm>> -> memref<32x1024xf32, #tpu.memory_space<hbm>>
      %dma_start3A_195 = arith.constant 0 : i32
      %dma_start3A_196 = tpu.memref_slice %arg4[%add3A_125, %dma_start3A_195] : memref<16384x1025xf32, #tpu.memory_space<hbm>> -> memref<32x1024xf32, #tpu.memory_space<hbm>>
      tpu.enqueue_dma source(%arg7 : memref<32x1024xf32, #tpu.memory_space<vmem>>) target(%dma_start3A_196 : memref<32x1024xf32, #tpu.memory_space<hbm>>) target_semaphore(%run_scoped3A : memref<!tpu.dma_semaphore, #tpu.memory_space<semaphore_mem>>)
      %dma_wait3A_197 = arith.constant 0 : i32
      %dma_wait3A_198 = tpu.memref_slice %arg4[%add3A_125, %dma_wait3A_197] : memref<16384x1025xf32, #tpu.memory_space<hbm>> -> memref<32x1024xf32, #tpu.memory_space<hbm>>
      %dma_wait3A_199 = arith.constant 0 : i32
      %dma_wait3A_200 = tpu.memref_slice %arg4[%add3A_125, %dma_wait3A_199] : memref<16384x1025xf32, #tpu.memory_space<hbm>> -> memref<32x1024xf32, #tpu.memory_space<hbm>>
      tpu.wait_dma2 semaphore(%run_scoped3A : memref<!tpu.dma_semaphore, #tpu.memory_space<semaphore_mem>>) src(%arg7 : memref<32x1024xf32, #tpu.memory_space<vmem>>) dst(%dma_wait3A_200 : memref<32x1024xf32, #tpu.memory_space<hbm>>)
      tpu.yield
    }) : () -> ()
    %dma_start3A_126 = arith.constant 352 : i32
    %dma_start3A_127 = tpu.memref_slice %arg5[%dma_start3A_126] : memref<512xi32, #tpu.memory_space<vmem>> -> memref<32xi32, #tpu.memory_space<vmem>>
    %dma_start3A_128 = arith.constant 0 : i32
    %dma_start3A_129 = arith.constant 0 : i32
    %dma_start3A_130 = tpu.memref_slice %arg3[%dma_start3A_128, %dma_start3A_129] : memref<100000x1024xf32, #tpu.memory_space<hbm>> -> memref<100000x1024xf32, #tpu.memory_space<hbm>>
    tpu.enqueue_indirect_dma source(%dma_start3A_130 : memref<100000x1024xf32, #tpu.memory_space<hbm>>) target(%arg7 : memref<32x1024xf32, #tpu.memory_space<vmem>>) offsets(%dma_start3A_127 : memref<32xi32, #tpu.memory_space<vmem>>) semaphore(%arg9 : memref<!tpu.dma_semaphore, #tpu.memory_space<semaphore_mem>>)
    %dma_wait3A_131 = arith.constant 320 : i32
    %dma_wait3A_132 = tpu.memref_slice %arg5[%dma_wait3A_131] : memref<512xi32, #tpu.memory_space<vmem>> -> memref<32xi32, #tpu.memory_space<vmem>>
    %dma_wait3A_133 = arith.constant 0 : i32
    %dma_wait3A_134 = arith.constant 0 : i32
    %dma_wait3A_135 = tpu.memref_slice %arg3[%dma_wait3A_133, %dma_wait3A_134] : memref<100000x1024xf32, #tpu.memory_space<hbm>> -> memref<100000x1024xf32, #tpu.memory_space<hbm>>
    tpu.wait_indirect_dma semaphore(%arg8 : memref<!tpu.dma_semaphore, #tpu.memory_space<semaphore_mem>>) src(%dma_wait3A_135 : memref<100000x1024xf32, #tpu.memory_space<hbm>>) dst(%arg6 : memref<32x1024xf32, #tpu.memory_space<vmem>>)
    %add3A_136 = arith.constant 320 : i32
    %add3A_137 = arith.addi %mul3A_2, %add3A_136 : i32
    "tpu.region"() ({
      %run_scoped3A = tpu.sem_alloc : memref<!tpu.dma_semaphore, #tpu.memory_space<semaphore_mem>>
      %dma_start3A_193 = arith.constant 0 : i32
      %dma_start3A_194 = tpu.memref_slice %arg4[%add3A_137, %dma_start3A_193] : memref<16384x1025xf32, #tpu.memory_space<hbm>> -> memref<32x1024xf32, #tpu.memory_space<hbm>>
      %dma_start3A_195 = arith.constant 0 : i32
      %dma_start3A_196 = tpu.memref_slice %arg4[%add3A_137, %dma_start3A_195] : memref<16384x1025xf32, #tpu.memory_space<hbm>> -> memref<32x1024xf32, #tpu.memory_space<hbm>>
      tpu.enqueue_dma source(%arg6 : memref<32x1024xf32, #tpu.memory_space<vmem>>) target(%dma_start3A_196 : memref<32x1024xf32, #tpu.memory_space<hbm>>) target_semaphore(%run_scoped3A : memref<!tpu.dma_semaphore, #tpu.memory_space<semaphore_mem>>)
      %dma_wait3A_197 = arith.constant 0 : i32
      %dma_wait3A_198 = tpu.memref_slice %arg4[%add3A_137, %dma_wait3A_197] : memref<16384x1025xf32, #tpu.memory_space<hbm>> -> memref<32x1024xf32, #tpu.memory_space<hbm>>
      %dma_wait3A_199 = arith.constant 0 : i32
      %dma_wait3A_200 = tpu.memref_slice %arg4[%add3A_137, %dma_wait3A_199] : memref<16384x1025xf32, #tpu.memory_space<hbm>> -> memref<32x1024xf32, #tpu.memory_space<hbm>>
      tpu.wait_dma2 semaphore(%run_scoped3A : memref<!tpu.dma_semaphore, #tpu.memory_space<semaphore_mem>>) src(%arg6 : memref<32x1024xf32, #tpu.memory_space<vmem>>) dst(%dma_wait3A_200 : memref<32x1024xf32, #tpu.memory_space<hbm>>)
      tpu.yield
    }) : () -> ()
    %dma_start3A_138 = arith.constant 384 : i32
    %dma_start3A_139 = tpu.memref_slice %arg5[%dma_start3A_138] : memref<512xi32, #tpu.memory_space<vmem>> -> memref<32xi32, #tpu.memory_space<vmem>>
    %dma_start3A_140 = arith.constant 0 : i32
    %dma_start3A_141 = arith.constant 0 : i32
    %dma_start3A_142 = tpu.memref_slice %arg3[%dma_start3A_140, %dma_start3A_141] : memref<100000x1024xf32, #tpu.memory_space<hbm>> -> memref<100000x1024xf32, #tpu.memory_space<hbm>>
    tpu.enqueue_indirect_dma source(%dma_start3A_142 : memref<100000x1024xf32, #tpu.memory_space<hbm>>) target(%arg6 : memref<32x1024xf32, #tpu.memory_space<vmem>>) offsets(%dma_start3A_139 : memref<32xi32, #tpu.memory_space<vmem>>) semaphore(%arg8 : memref<!tpu.dma_semaphore, #tpu.memory_space<semaphore_mem>>)
    %dma_wait3A_143 = arith.constant 352 : i32
    %dma_wait3A_144 = tpu.memref_slice %arg5[%dma_wait3A_143] : memref<512xi32, #tpu.memory_space<vmem>> -> memref<32xi32, #tpu.memory_space<vmem>>
    %dma_wait3A_145 = arith.constant 0 : i32
    %dma_wait3A_146 = arith.constant 0 : i32
    %dma_wait3A_147 = tpu.memref_slice %arg3[%dma_wait3A_145, %dma_wait3A_146] : memref<100000x1024xf32, #tpu.memory_space<hbm>> -> memref<100000x1024xf32, #tpu.memory_space<hbm>>
    tpu.wait_indirect_dma semaphore(%arg9 : memref<!tpu.dma_semaphore, #tpu.memory_space<semaphore_mem>>) src(%dma_wait3A_147 : memref<100000x1024xf32, #tpu.memory_space<hbm>>) dst(%arg7 : memref<32x1024xf32, #tpu.memory_space<vmem>>)
    %add3A_148 = arith.constant 352 : i32
    %add3A_149 = arith.addi %mul3A_2, %add3A_148 : i32
    "tpu.region"() ({
      %run_scoped3A = tpu.sem_alloc : memref<!tpu.dma_semaphore, #tpu.memory_space<semaphore_mem>>
      %dma_start3A_193 = arith.constant 0 : i32
      %dma_start3A_194 = tpu.memref_slice %arg4[%add3A_149, %dma_start3A_193] : memref<16384x1025xf32, #tpu.memory_space<hbm>> -> memref<32x1024xf32, #tpu.memory_space<hbm>>
      %dma_start3A_195 = arith.constant 0 : i32
      %dma_start3A_196 = tpu.memref_slice %arg4[%add3A_149, %dma_start3A_195] : memref<16384x1025xf32, #tpu.memory_space<hbm>> -> memref<32x1024xf32, #tpu.memory_space<hbm>>
      tpu.enqueue_dma source(%arg7 : memref<32x1024xf32, #tpu.memory_space<vmem>>) target(%dma_start3A_196 : memref<32x1024xf32, #tpu.memory_space<hbm>>) target_semaphore(%run_scoped3A : memref<!tpu.dma_semaphore, #tpu.memory_space<semaphore_mem>>)
      %dma_wait3A_197 = arith.constant 0 : i32
      %dma_wait3A_198 = tpu.memref_slice %arg4[%add3A_149, %dma_wait3A_197] : memref<16384x1025xf32, #tpu.memory_space<hbm>> -> memref<32x1024xf32, #tpu.memory_space<hbm>>
      %dma_wait3A_199 = arith.constant 0 : i32
      %dma_wait3A_200 = tpu.memref_slice %arg4[%add3A_149, %dma_wait3A_199] : memref<16384x1025xf32, #tpu.memory_space<hbm>> -> memref<32x1024xf32, #tpu.memory_space<hbm>>
      tpu.wait_dma2 semaphore(%run_scoped3A : memref<!tpu.dma_semaphore, #tpu.memory_space<semaphore_mem>>) src(%arg7 : memref<32x1024xf32, #tpu.memory_space<vmem>>) dst(%dma_wait3A_200 : memref<32x1024xf32, #tpu.memory_space<hbm>>)
      tpu.yield
    }) : () -> ()
    %dma_start3A_150 = arith.constant 416 : i32
    %dma_start3A_151 = tpu.memref_slice %arg5[%dma_start3A_150] : memref<512xi32, #tpu.memory_space<vmem>> -> memref<32xi32, #tpu.memory_space<vmem>>
    %dma_start3A_152 = arith.constant 0 : i32
    %dma_start3A_153 = arith.constant 0 : i32
    %dma_start3A_154 = tpu.memref_slice %arg3[%dma_start3A_152, %dma_start3A_153] : memref<100000x1024xf32, #tpu.memory_space<hbm>> -> memref<100000x1024xf32, #tpu.memory_space<hbm>>
    tpu.enqueue_indirect_dma source(%dma_start3A_154 : memref<100000x1024xf32, #tpu.memory_space<hbm>>) target(%arg7 : memref<32x1024xf32, #tpu.memory_space<vmem>>) offsets(%dma_start3A_151 : memref<32xi32, #tpu.memory_space<vmem>>) semaphore(%arg9 : memref<!tpu.dma_semaphore, #tpu.memory_space<semaphore_mem>>)
    %dma_wait3A_155 = arith.constant 384 : i32
    %dma_wait3A_156 = tpu.memref_slice %arg5[%dma_wait3A_155] : memref<512xi32, #tpu.memory_space<vmem>> -> memref<32xi32, #tpu.memory_space<vmem>>
    %dma_wait3A_157 = arith.constant 0 : i32
    %dma_wait3A_158 = arith.constant 0 : i32
    %dma_wait3A_159 = tpu.memref_slice %arg3[%dma_wait3A_157, %dma_wait3A_158] : memref<100000x1024xf32, #tpu.memory_space<hbm>> -> memref<100000x1024xf32, #tpu.memory_space<hbm>>
    tpu.wait_indirect_dma semaphore(%arg8 : memref<!tpu.dma_semaphore, #tpu.memory_space<semaphore_mem>>) src(%dma_wait3A_159 : memref<100000x1024xf32, #tpu.memory_space<hbm>>) dst(%arg6 : memref<32x1024xf32, #tpu.memory_space<vmem>>)
    %add3A_160 = arith.constant 384 : i32
    %add3A_161 = arith.addi %mul3A_2, %add3A_160 : i32
    "tpu.region"() ({
      %run_scoped3A = tpu.sem_alloc : memref<!tpu.dma_semaphore, #tpu.memory_space<semaphore_mem>>
      %dma_start3A_193 = arith.constant 0 : i32
      %dma_start3A_194 = tpu.memref_slice %arg4[%add3A_161, %dma_start3A_193] : memref<16384x1025xf32, #tpu.memory_space<hbm>> -> memref<32x1024xf32, #tpu.memory_space<hbm>>
      %dma_start3A_195 = arith.constant 0 : i32
      %dma_start3A_196 = tpu.memref_slice %arg4[%add3A_161, %dma_start3A_195] : memref<16384x1025xf32, #tpu.memory_space<hbm>> -> memref<32x1024xf32, #tpu.memory_space<hbm>>
      tpu.enqueue_dma source(%arg6 : memref<32x1024xf32, #tpu.memory_space<vmem>>) target(%dma_start3A_196 : memref<32x1024xf32, #tpu.memory_space<hbm>>) target_semaphore(%run_scoped3A : memref<!tpu.dma_semaphore, #tpu.memory_space<semaphore_mem>>)
      %dma_wait3A_197 = arith.constant 0 : i32
      %dma_wait3A_198 = tpu.memref_slice %arg4[%add3A_161, %dma_wait3A_197] : memref<16384x1025xf32, #tpu.memory_space<hbm>> -> memref<32x1024xf32, #tpu.memory_space<hbm>>
      %dma_wait3A_199 = arith.constant 0 : i32
      %dma_wait3A_200 = tpu.memref_slice %arg4[%add3A_161, %dma_wait3A_199] : memref<16384x1025xf32, #tpu.memory_space<hbm>> -> memref<32x1024xf32, #tpu.memory_space<hbm>>
      tpu.wait_dma2 semaphore(%run_scoped3A : memref<!tpu.dma_semaphore, #tpu.memory_space<semaphore_mem>>) src(%arg6 : memref<32x1024xf32, #tpu.memory_space<vmem>>) dst(%dma_wait3A_200 : memref<32x1024xf32, #tpu.memory_space<hbm>>)
      tpu.yield
    }) : () -> ()
    %dma_start3A_162 = arith.constant 448 : i32
    %dma_start3A_163 = tpu.memref_slice %arg5[%dma_start3A_162] : memref<512xi32, #tpu.memory_space<vmem>> -> memref<32xi32, #tpu.memory_space<vmem>>
    %dma_start3A_164 = arith.constant 0 : i32
    %dma_start3A_165 = arith.constant 0 : i32
    %dma_start3A_166 = tpu.memref_slice %arg3[%dma_start3A_164, %dma_start3A_165] : memref<100000x1024xf32, #tpu.memory_space<hbm>> -> memref<100000x1024xf32, #tpu.memory_space<hbm>>
    tpu.enqueue_indirect_dma source(%dma_start3A_166 : memref<100000x1024xf32, #tpu.memory_space<hbm>>) target(%arg6 : memref<32x1024xf32, #tpu.memory_space<vmem>>) offsets(%dma_start3A_163 : memref<32xi32, #tpu.memory_space<vmem>>) semaphore(%arg8 : memref<!tpu.dma_semaphore, #tpu.memory_space<semaphore_mem>>)
    %dma_wait3A_167 = arith.constant 416 : i32
    %dma_wait3A_168 = tpu.memref_slice %arg5[%dma_wait3A_167] : memref<512xi32, #tpu.memory_space<vmem>> -> memref<32xi32, #tpu.memory_space<vmem>>
    %dma_wait3A_169 = arith.constant 0 : i32
    %dma_wait3A_170 = arith.constant 0 : i32
    %dma_wait3A_171 = tpu.memref_slice %arg3[%dma_wait3A_169, %dma_wait3A_170] : memref<100000x1024xf32, #tpu.memory_space<hbm>> -> memref<100000x1024xf32, #tpu.memory_space<hbm>>
    tpu.wait_indirect_dma semaphore(%arg9 : memref<!tpu.dma_semaphore, #tpu.memory_space<semaphore_mem>>) src(%dma_wait3A_171 : memref<100000x1024xf32, #tpu.memory_space<hbm>>) dst(%arg7 : memref<32x1024xf32, #tpu.memory_space<vmem>>)
    %add3A_172 = arith.constant 416 : i32
    %add3A_173 = arith.addi %mul3A_2, %add3A_172 : i32
    "tpu.region"() ({
      %run_scoped3A = tpu.sem_alloc : memref<!tpu.dma_semaphore, #tpu.memory_space<semaphore_mem>>
      %dma_start3A_193 = arith.constant 0 : i32
      %dma_start3A_194 = tpu.memref_slice %arg4[%add3A_173, %dma_start3A_193] : memref<16384x1025xf32, #tpu.memory_space<hbm>> -> memref<32x1024xf32, #tpu.memory_space<hbm>>
      %dma_start3A_195 = arith.constant 0 : i32
      %dma_start3A_196 = tpu.memref_slice %arg4[%add3A_173, %dma_start3A_195] : memref<16384x1025xf32, #tpu.memory_space<hbm>> -> memref<32x1024xf32, #tpu.memory_space<hbm>>
      tpu.enqueue_dma source(%arg7 : memref<32x1024xf32, #tpu.memory_space<vmem>>) target(%dma_start3A_196 : memref<32x1024xf32, #tpu.memory_space<hbm>>) target_semaphore(%run_scoped3A : memref<!tpu.dma_semaphore, #tpu.memory_space<semaphore_mem>>)
      %dma_wait3A_197 = arith.constant 0 : i32
      %dma_wait3A_198 = tpu.memref_slice %arg4[%add3A_173, %dma_wait3A_197] : memref<16384x1025xf32, #tpu.memory_space<hbm>> -> memref<32x1024xf32, #tpu.memory_space<hbm>>
      %dma_wait3A_199 = arith.constant 0 : i32
      %dma_wait3A_200 = tpu.memref_slice %arg4[%add3A_173, %dma_wait3A_199] : memref<16384x1025xf32, #tpu.memory_space<hbm>> -> memref<32x1024xf32, #tpu.memory_space<hbm>>
      tpu.wait_dma2 semaphore(%run_scoped3A : memref<!tpu.dma_semaphore, #tpu.memory_space<semaphore_mem>>) src(%arg7 : memref<32x1024xf32, #tpu.memory_space<vmem>>) dst(%dma_wait3A_200 : memref<32x1024xf32, #tpu.memory_space<hbm>>)
      tpu.yield
    }) : () -> ()
    %dma_start3A_174 = arith.constant 480 : i32
    %dma_start3A_175 = tpu.memref_slice %arg5[%dma_start3A_174] : memref<512xi32, #tpu.memory_space<vmem>> -> memref<32xi32, #tpu.memory_space<vmem>>
    %dma_start3A_176 = arith.constant 0 : i32
    %dma_start3A_177 = arith.constant 0 : i32
    %dma_start3A_178 = tpu.memref_slice %arg3[%dma_start3A_176, %dma_start3A_177] : memref<100000x1024xf32, #tpu.memory_space<hbm>> -> memref<100000x1024xf32, #tpu.memory_space<hbm>>
    tpu.enqueue_indirect_dma source(%dma_start3A_178 : memref<100000x1024xf32, #tpu.memory_space<hbm>>) target(%arg7 : memref<32x1024xf32, #tpu.memory_space<vmem>>) offsets(%dma_start3A_175 : memref<32xi32, #tpu.memory_space<vmem>>) semaphore(%arg9 : memref<!tpu.dma_semaphore, #tpu.memory_space<semaphore_mem>>)
    %dma_wait3A_179 = arith.constant 448 : i32
    %dma_wait3A_180 = tpu.memref_slice %arg5[%dma_wait3A_179] : memref<512xi32, #tpu.memory_space<vmem>> -> memref<32xi32, #tpu.memory_space<vmem>>
    %dma_wait3A_181 = arith.constant 0 : i32
    %dma_wait3A_182 = arith.constant 0 : i32
    %dma_wait3A_183 = tpu.memref_slice %arg3[%dma_wait3A_181, %dma_wait3A_182] : memref<100000x1024xf32, #tpu.memory_space<hbm>> -> memref<100000x1024xf32, #tpu.memory_space<hbm>>
    tpu.wait_indirect_dma semaphore(%arg8 : memref<!tpu.dma_semaphore, #tpu.memory_space<semaphore_mem>>) src(%dma_wait3A_183 : memref<100000x1024xf32, #tpu.memory_space<hbm>>) dst(%arg6 : memref<32x1024xf32, #tpu.memory_space<vmem>>)
    %add3A_184 = arith.constant 448 : i32
    %add3A_185 = arith.addi %mul3A_2, %add3A_184 : i32
    "tpu.region"() ({
      %run_scoped3A = tpu.sem_alloc : memref<!tpu.dma_semaphore, #tpu.memory_space<semaphore_mem>>
      %dma_start3A_193 = arith.constant 0 : i32
      %dma_start3A_194 = tpu.memref_slice %arg4[%add3A_185, %dma_start3A_193] : memref<16384x1025xf32, #tpu.memory_space<hbm>> -> memref<32x1024xf32, #tpu.memory_space<hbm>>
      %dma_start3A_195 = arith.constant 0 : i32
      %dma_start3A_196 = tpu.memref_slice %arg4[%add3A_185, %dma_start3A_195] : memref<16384x1025xf32, #tpu.memory_space<hbm>> -> memref<32x1024xf32, #tpu.memory_space<hbm>>
      tpu.enqueue_dma source(%arg6 : memref<32x1024xf32, #tpu.memory_space<vmem>>) target(%dma_start3A_196 : memref<32x1024xf32, #tpu.memory_space<hbm>>) target_semaphore(%run_scoped3A : memref<!tpu.dma_semaphore, #tpu.memory_space<semaphore_mem>>)
      %dma_wait3A_197 = arith.constant 0 : i32
      %dma_wait3A_198 = tpu.memref_slice %arg4[%add3A_185, %dma_wait3A_197] : memref<16384x1025xf32, #tpu.memory_space<hbm>> -> memref<32x1024xf32, #tpu.memory_space<hbm>>
      %dma_wait3A_199 = arith.constant 0 : i32
      %dma_wait3A_200 = tpu.memref_slice %arg4[%add3A_185, %dma_wait3A_199] : memref<16384x1025xf32, #tpu.memory_space<hbm>> -> memref<32x1024xf32, #tpu.memory_space<hbm>>
      tpu.wait_dma2 semaphore(%run_scoped3A : memref<!tpu.dma_semaphore, #tpu.memory_space<semaphore_mem>>) src(%arg6 : memref<32x1024xf32, #tpu.memory_space<vmem>>) dst(%dma_wait3A_200 : memref<32x1024xf32, #tpu.memory_space<hbm>>)
      tpu.yield
    }) : () -> ()
    %dma_wait3A_186 = arith.constant 480 : i32
    %dma_wait3A_187 = tpu.memref_slice %arg5[%dma_wait3A_186] : memref<512xi32, #tpu.memory_space<vmem>> -> memref<32xi32, #tpu.memory_space<vmem>>
    %dma_wait3A_188 = arith.constant 0 : i32
    %dma_wait3A_189 = arith.constant 0 : i32
    %dma_wait3A_190 = tpu.memref_slice %arg3[%dma_wait3A_188, %dma_wait3A_189] : memref<100000x1024xf32, #tpu.memory_space<hbm>> -> memref<100000x1024xf32, #tpu.memory_space<hbm>>
    tpu.wait_indirect_dma semaphore(%arg9 : memref<!tpu.dma_semaphore, #tpu.memory_space<semaphore_mem>>) src(%dma_wait3A_190 : memref<100000x1024xf32, #tpu.memory_space<hbm>>) dst(%arg7 : memref<32x1024xf32, #tpu.memory_space<vmem>>)
    %add3A_191 = arith.constant 480 : i32
    %add3A_192 = arith.addi %mul3A_2, %add3A_191 : i32
    "tpu.region"() ({
      %run_scoped3A = tpu.sem_alloc : memref<!tpu.dma_semaphore, #tpu.memory_space<semaphore_mem>>
      %dma_start3A_193 = arith.constant 0 : i32
      %dma_start3A_194 = tpu.memref_slice %arg4[%add3A_192, %dma_start3A_193] : memref<16384x1025xf32, #tpu.memory_space<hbm>> -> memref<32x1024xf32, #tpu.memory_space<hbm>>
      %dma_start3A_195 = arith.constant 0 : i32
      %dma_start3A_196 = tpu.memref_slice %arg4[%add3A_192, %dma_start3A_195] : memref<16384x1025xf32, #tpu.memory_space<hbm>> -> memref<32x1024xf32, #tpu.memory_space<hbm>>
      tpu.enqueue_dma source(%arg7 : memref<32x1024xf32, #tpu.memory_space<vmem>>) target(%dma_start3A_196 : memref<32x1024xf32, #tpu.memory_space<hbm>>) target_semaphore(%run_scoped3A : memref<!tpu.dma_semaphore, #tpu.memory_space<semaphore_mem>>)
      %dma_wait3A_197 = arith.constant 0 : i32
      %dma_wait3A_198 = tpu.memref_slice %arg4[%add3A_192, %dma_wait3A_197] : memref<16384x1025xf32, #tpu.memory_space<hbm>> -> memref<32x1024xf32, #tpu.memory_space<hbm>>
      %dma_wait3A_199 = arith.constant 0 : i32
      %dma_wait3A_200 = tpu.memref_slice %arg4[%add3A_192, %dma_wait3A_199] : memref<16384x1025xf32, #tpu.memory_space<hbm>> -> memref<32x1024xf32, #tpu.memory_space<hbm>>
      tpu.wait_dma2 semaphore(%run_scoped3A : memref<!tpu.dma_semaphore, #tpu.memory_space<semaphore_mem>>) src(%arg7 : memref<32x1024xf32, #tpu.memory_space<vmem>>) dst(%dma_wait3A_200 : memref<32x1024xf32, #tpu.memory_space<hbm>>)
      tpu.yield
    }) : () -> ()
    return
  }
}

module attributes {stable_mosaic.version = 14 : i64} {
  func.func @_mask_body(%arg0: i32, %arg1: memref<512x32xf32, #tpu.memory_space<vmem>>, %arg2: memref<16384x1025xf32, #tpu.memory_space<any>>, %arg3: memref<512x128xf32, #tpu.memory_space<vmem>>) attributes {dimension_semantics = [#tpu.dimension_semantics<arbitrary>], iteration_bounds = array<i64: 32>, scalar_prefetch = 0 : i64, scratch_operands = 0 : i64, tpu.core_type = #tpu.core_type<tc>, window_params = [{pipeline_mode = #tpu.pipeline_mode<synchronous>, transform_indices = @transform_0, window_bounds = array<i64: 512, 32>}, {}, {transform_indices = @transform_2, window_bounds = array<i64: 512, 128>}]} {
    %get3A = arith.constant 0 : index
    %get3A_0 = arith.constant 0 : index
    %get3A_1 = vector.load %arg1[%get3A, %get3A_0] : memref<512x32xf32, #tpu.memory_space<vmem>>, vector<512x32xf32>
    %iota3A = tpu.iota {dimensions = array<i32: 1>} : vector<512x32xi32>
    %eq3A = vector.broadcast %arg0 : i32 to vector<512x32xi32>
    %eq3A_2 = arith.cmpi eq, %iota3A, %eq3A : vector<512x32xi32>
    %jit3A = arith.constant 0.000000e+00 : f32
    %broadcast_in_dim3A = vector.broadcast %jit3A : f32 to vector<512x32xf32>
    %select_n3A = arith.select %eq3A_2, %get3A_1, %broadcast_in_dim3A : vector<512x32xi1>, vector<512x32xf32>
    %reduce_sum3A = arith.constant dense<0.000000e+00> : vector<512xf32>
    %reduce_sum3A_3 = vector.multi_reduction <add>, %select_n3A, %reduce_sum3A [1] : vector<512x32xf32> to vector<512xf32>
    %broadcast_in_dim3A_4 = vector.shape_cast %reduce_sum3A_3 : vector<512xf32> to vector<512x1xf32>
    %broadcast_in_dim3A_5 = vector.shape_cast %broadcast_in_dim3A_4 : vector<512x1xf32> to vector<512x1xf32>
    %broadcast_in_dim3A_6 = vector.broadcast %broadcast_in_dim3A_5 : vector<512x1xf32> to vector<512x128xf32>
    %swap3A = arith.constant 0 : index
    %swap3A_7 = arith.constant 0 : index
    %swap3A_8 = vector.load %arg3[%swap3A, %swap3A_7] : memref<512x128xf32, #tpu.memory_space<vmem>>, vector<512x128xf32>
    tpu.vector_store %arg3[%swap3A, %swap3A_7], %broadcast_in_dim3A_6 {strides = array<i32>} : memref<512x128xf32, #tpu.memory_space<vmem>>, vector<512x128xf32>,
    return
  }
  func.func @transform_0(%arg0: i32) -> (i32, i32) {
    %c0_i32 = arith.constant 0 : i32
    %c0_i32_0 = arith.constant 0 : i32
    %c0_i32_1 = arith.constant 0 : i32
    return %c0_i32, %c0_i32_0 : i32, i32
  }
  func.func @transform_2(%arg0: i32) -> (i32, i32) {
    %c8_i32 = arith.constant 8 : i32
    %c0_i32 = arith.constant 0 : i32
    return %arg0, %c8_i32 : i32, i32
  }
}

</mosaic_0001>

<sc_bundles>
// kernel: kernel.4.cloned.1.call-start
scs
__scs_entry_jumppad:
0x0: {  	(pc) =	sbr.rel $0x88, $3  }
0x1: {  	(tag) =	ssettag $0x0;
	lr =	simm.s32 $0x1  }
0x2: {  	[smem:$0x3F9E] =	sst lr;
	_ =	strace $0xD0000000  }
0x3: {  	_ = 	snop  }
0x4: {  	_ = 	snop  }
0x5: {  	_ = 	snop  }
0x6: {  	_ = 	snop  }
0x7: {  	_ = 	snop  }
__scs_overlays_trampoline_lowered:
0x8: {  	[smem:$0x3FAD] =	sst s0  }
0x9: {  	[smem:$0x3FAE] =	sst s1  }
0xa: {  	[smem:$0x3FAF] =	sst s2  }
0xb: {  	[smem:$0x3FB0] =	sst s3  }
0xc: {  	[smem:$0x3FB1] =	sst s4  }
0xd: {  	[smem:$0x3FB2] =	sst s5  }
0xe: {  	[smem:$0x3FB3] =	sst s6  }
0xf: {  	[smem:$0x3FB4] =	sst s7  }
0x10: {  	[smem:$0x3FB5] =	sst s8  }
0x11: {  	[smem:$0x3FB6] =	sst s9;
	s0 =	simm.s32 @!p0 $0x0  }
0x12: {  	s1 =	sld [smem:$0x3F9C];
	s0 =	simm.s32 @p0 $0x1  }
0x13: {  	[smem:$0x3FB7] =	sst s0;
	s0 =	simm.s32 @!p1 $0x0  }
0x14: {  	s2 =	sld [smem:$0x3F9B];
	s0 =	simm.s32 @p1 $0x1  }
0x15: {  	[smem:$0x3FB8] =	sst s0;
	s0 =	simm.s32 @!p2 $0x0  }
0x16: {  	s3 =	sld [smem:$0x3FDB];
	s0 =	simm.s32 @p2 $0x1  }
0x17: {  	s4 =	simm.s32 $0x1BF5;
	[smem:$0x3FBA] =	sst s0  }
0x18: {  	s0 =	sld [smem:$0x3F9D];
	_ =	swait.ge [sflag:s4], $0x0  }
0x19: {  	s7 =	sld [smem:$0x3F9E]  }
0x1a: {  	s8 =	sadd.s32 $0xFFFFE003, lr  }
0x1b: {  	s9 =	sadd.s32 $0xFFFFFEF7, lr;
	s5 =	simm.s32 $0xFFFFFFFF;
	p2 =	slt.u32 s8, $0xFFFFF086  }
0x1c: {  	p1 =	slt.u32 s9, $0xF7A;
	s5 =	simm.s32 @!p2 $0x0  }
0x1d: {  	s5 =	simm.s32 @p1 $0x1;
	p0 =	seq.s32 s7, s2  }
0x1e: {  	s7 =	smul.u32 @!p0 $0xF7A, s2;
	p2 =	seq.s32 @!p0 s5, $0x0  }
0x1f: {  	s9 =	smul.u32 $0xF7A, s1;
	s8 =	simm.s32 @!p0 $0x1BF5;
	p2 =	por !p2, p0  }
0x20: {  	[sflag:s8] =	ssyncset.s32 @!p0 $0xFFFFF086;
	s6 =	sadd.s32 @!p0 s3, s7;
	s7 =	simm.s32 @!p0 $0x108  }
0x21: {  	s3 =	sadd.s32 s3, s9;
	s6 =	sadd.s32 @!p0 $0x88, s6;
	s7 =	simm.s32 @p2 $0x1082  }
0x22: {  	[simem:s7], [sflag:s8] =	dma.local @!p0 [hbm:s6], $0xF7A  }
0x23: {  	s9 =	sor.u32 $0xD0000000, s2;
	s6 =	simm.s32 $0x108;
	_ =	swait.ge @!p0 [sflag:s8], $0x0  }
0x24: {  	s3 =	sadd.s32 $0x88, s3;
	s6 =	simm.s32 @!p1 $0x1082;
	[sflag:s4] =	ssyncset.s32 $0xFFFFF086  }
0x25: {  	[simem:s6], [sflag:s4] =	dma.local [hbm:s3], $0xF7A  }
0x26: {  	[smem:$0x3F9E] =	sst s1;
	(tag) =	ssettag s2;
	_ =	strace s9  }
0x27: {  	s1 =	sld [smem:$0x3FAE]  }
0x28: {  	s2 =	sld [smem:$0x3FAF]  }
0x29: {  	s4 =	sld [smem:$0x3FB1]  }
0x2a: {  	p0 =	seq.s32 s5, $0x0;
	s5 =	sld [smem:$0x3FB2]  }
0x2b: {  	s6 =	sld [smem:$0x3FB3]  }
0x2c: {  	s7 =	sld [smem:$0x3FB4]  }
0x2d: {  	s3 =	simm.s32 $0x108;
	s8 =	sld [smem:$0x3FB5]  }
0x2e: {  	s3 =	simm.s32 @!p0 $0x1082;
	s9 =	sld [smem:$0x3FB6]  }
0x2f: {  	lr =	sadd.s32 s0, s3;
	s0 =	sld [smem:$0x3FAD]  }
0x30: {  	s3 =	sld [smem:$0x3FB0]  }
0x31: {  	[smem:$0x3FB9] =	sst s10  }
0x32: {  	s10 =	sld [smem:$0x3FB7];
	_ =	sdelay $0x3  }
0x33: {  	p0 =	seq.s32 s10, $0x1;
	s10 =	sld [smem:$0x3FB9];
	_ =	sdelay $0x3  }
0x34: {  	[smem:$0x3FB9] =	sst s10  }
0x35: {  	s10 =	sld [smem:$0x3FB8];
	_ =	sdelay $0x3  }
0x36: {  	p1 =	seq.s32 s10, $0x1;
	s10 =	sld [smem:$0x3FB9];
	_ =	sdelay $0x3  }
0x37: {  	[smem:$0x3FB9] =	sst s10  }
0x38: {  	s10 =	sld [smem:$0x3FBA]  }
0x39: {  	_ = 	snop;
	(pc) =	sbr.ind lr, $3  }
0x3a: {  	_ = 	snop  }
0x3b: {  	_ = 	snop  }
0x3c: {  	p2 =	seq.s32 s10, $0x1;
	s10 =	sld [smem:$0x3FB9]  }
0x3d: {  	_ =	shalt  }
0x3e: {  	_ =	shalt  }
0x3f: {  	_ =	shalt  }
0x40: {  	_ =	shalt  }
0x41: {  	_ =	shalt  }
0x42: {  	_ =	shalt  }
0x43: {  	_ =	shalt  }
0x44: {  	_ =	shalt  }
0x45: {  	_ =	shalt  }
0x46: {  	_ =	shalt  }
0x47: {  	_ =	shalt  }
0x48: {  	_ =	shalt  }
0x49: {  	_ =	shalt  }
0x4a: {  	_ =	shalt  }
0x4b: {  	_ =	shalt  }
0x4c: {  	_ =	shalt  }
0x4d: {  	_ =	shalt  }
0x4e: {  	_ =	shalt  }
0x4f: {  	_ =	shalt  }
0x50: {  	_ =	shalt  }
0x51: {  	_ =	shalt  }
0x52: {  	_ =	shalt  }
0x53: {  	_ =	shalt  }
0x54: {  	_ =	shalt  }
0x55: {  	_ =	shalt  }
0x56: {  	_ =	shalt  }
0x57: {  	_ =	shalt  }
0x58: {  	_ =	shalt  }
0x59: {  	_ =	shalt  }
0x5a: {  	_ =	shalt  }
0x5b: {  	_ =	shalt  }
0x5c: {  	_ =	shalt  }
0x5d: {  	_ =	shalt  }
0x5e: {  	_ =	shalt  }
0x5f: {  	_ =	shalt  }
0x60: {  	_ =	shalt  }
0x61: {  	_ =	shalt  }
0x62: {  	_ =	shalt  }
0x63: {  	_ =	shalt  }
0x64: {  	_ =	shalt  }
0x65: {  	_ =	shalt  }
0x66: {  	_ =	shalt  }
0x67: {  	_ =	shalt  }
0x68: {  	_ =	shalt  }
0x69: {  	_ =	shalt  }
0x6a: {  	_ =	shalt  }
0x6b: {  	_ =	shalt  }
0x6c: {  	_ =	shalt  }
0x6d: {  	_ =	shalt  }
0x6e: {  	_ =	shalt  }
0x6f: {  	_ =	shalt  }
0x70: {  	_ =	shalt  }
0x71: {  	_ =	shalt  }
0x72: {  	_ =	shalt  }
0x73: {  	_ =	shalt  }
0x74: {  	_ =	shalt  }
0x75: {  	_ =	shalt  }
0x76: {  	_ =	shalt  }
0x77: {  	_ =	shalt  }
0x78: {  	_ =	shalt  }
0x79: {  	_ =	shalt  }
0x7a: {  	_ =	shalt  }
0x7b: {  	_ =	shalt  }
0x7c: {  	_ =	shalt  }
0x7d: {  	_ =	shalt  }
0x7e: {  	_ =	shalt  }
0x7f: {  	_ =	shalt  }
0x80: {  	_ =	shalt  }
0x81: {  	_ =	shalt  }
0x82: {  	_ =	shalt  }
0x83: {  	_ =	shalt  }
0x84: {  	_ =	shalt  }
0x85: {  	_ =	shalt  }
0x86: {  	_ =	shalt  }
0x87: {  	_ =	shalt  }
.Lfunc_end0:
.L_simem_size_0:
called_computation.1_lowered:
.L_overlay_start_0:
0x88: {  	s2 =	sld [smem:$0x3FD9]  }
0x89: {  	s3 =	sld [smem:$0x3FFE];
	_ =	sdelay $0x1  }
0x8a: {  	s1 =	srdreg.scid  }
0x8b: {  	s0 =	sand.u32 $0x1, s1  }
0x8c: {  	s17 =	sshll.u32 s0, $0xA;
	s2 =	sadd.s32 s3, s2  }
0x8d: {  	s2 =	sadd.s32 s2, s17  }
0x8e: {  	[smem:$0x3FC5] =	sst s2  }
0x8f: {  	_ = 	snop  }
0x90: {  	s2 =	sld [smem:$0x3FC7]  }
0x91: {  	s18 =	sld [smem:$0x3FD0];
	(tm) =	ssettm $0x1  }
0x92: {  	s4 =	sld [smem:$0x3FFB];
	_ =	sdelay $0x3  }
0x93: {  	_ =	strace s4  }
0x94: {  	s4 =	sld [smem:$0x3FFC];
	_ =	sdelay $0x3  }
0x95: {  	_ =	strace s4  }
0x96: {  	s4 =	sld [smem:$0x3FFD];
	_ =	sdelay $0x3  }
0x97: {  	_ =	strace s4  }
0x98: {  	_ =	strace $0x8FFFFFFF  }
0x99: {  	s19 =	sld [smem:$0x3FDB];
	_ =	sdelay $0x1  }
0x9a: {  	s5 =	simm.s32 $_scs_section_size  }
0x9b: {  	s6 =	simm.s32 $_size__tile_overlayer_lowered;
	s7 =	simm.s32 $_tile_overlayer_lowered  }
0x9c: {  	s22 =	simm.s32 $0x1BFF;
	s21 =	sshll.u32 s7, $0x1;
	s4 =	sadd.s32 s5, s19  }
0x9d: {  	s8 =	simm.s32 $0x0;
	s20 =	sshll.u32 s6, $0x1;
	s6 =	sadd.s32 s21, s4  }
0x9e: {  	[timem:s8], [sflag:s22] =	dma.local [hbm:s6], s20  }
0x9f: {  	_ =	swait.ge [sflag:s22], s20  }
0xa0: {  	s5 =	ssub.s32 $0x0, s20;
	[sflag:s22] =	ssyncset.done $0x0  }
0xa1: {  	[sflag:s22] =	ssyncadd.s32 s5;
	_ =	sdelay $0x1  }
0xa2: {  	s23 =	simm.s32 $0x1B8B  }
0xa3: {  	_ =	swait.ge [sflag:s23], $0x1  }
0xa4: {  	[sflag:s23] =	ssyncset.done $0x0  }
0xa5: {  	s25 =	simm.s32 $0x1B8E;
	s24 =	sld [smem:$0x3FFE];
	[sflag:s23] =	ssyncadd.s32 $0xFFFFFFFF  }
0xa6: {  	s26 =	simm.s32 $execute0_lowered;
	[smem:$0x3FD2] =	sst s25  }
0xa7: {  	s6 =	sshll.u32 s26, $0x1;
	_ =	strace $0x80000046;
	[dreg:$0x1] =	wrdreg $0xFFFFFFFF  }
0xa8: {  	s28 =	simm.s32 $_size_execute0_lowered;
	s4 =	sadd.s32 s4, s6;
	[dreg:$0x0] =	wrdreg $0x0  }
0xa9: {  	s6 =	sshll.u32 s28, $0x1;
	[dreg:$0x2] =	wrdreg s4  }
0xaa: {  	[dreg:$0x3] =	wrdreg s6  }
0xab: {  	[dreg:$0x4] =	wrdreg $0xC0  }
0xac: {  	_ =	task [dreg:s8], $0x5FFFF  }
0xad: {  	[dreg:$0x1] =	wrdreg $0xFFFFFFFF  }
0xae: {  	[dreg:$0x0] =	wrdreg $0x60  }
0xaf: {  	[dreg:$0x2] =	wrdreg s18  }
0xb0: {  	[dreg:$0x3] =	wrdreg s2  }
0xb1: {  	[dreg:$0x4] =	wrdreg s24  }
0xb2: {  	[dreg:$0x5] =	wrdreg $0x9  }
0xb3: {  	_ =	task.clear_ibuf [dreg:s8], $0x6FFFF;
	_ =	strace $0x90000046  }
0xb4: {  	s29 =	simm.s32 $0x9;
	_ =	strace $0x80000048  }
0xb5: {  	_ =	swait.ge [sflag:s29], $0x1  }
0xb6: {  	[sflag:s29] =	ssyncadd.s32 $0xFFFFFFFF  }
0xb7: {  	_ =	strace $0x90000048  }
0xb8: {  	_ =	sfence  }
0xb9: {  	s30 =	sld [smem:$0x0];
	_ =	sdelay $0x2  }
0xba: {  	s31 =	sshll.u32 s1, $0xD;
	s1 =	sshrl.u32 s1, $0x2  }
0xbb: {  	s3 =	sand.u32 $0x4000, s31;
	s1 =	sadd.s32 s1, s30  }
0xbc: {  	s0 =	sor.u32 s3, s0;
	s1 =	sshll.u32 s1, $0x11  }
0xbd: {  	s0 =	sor.u32 s1, s0  }
0xbe: {  	s0 =	sadd.s32 $0x8F2B, s0  }
0xbf: {  	[sflag:s0] =	ssyncadd.remote.s32 $0x1  }
0xc0: {  	_ =	sfence.sel $0xFFFF  }
0xc1: {  	[dreg:$0x0] =	wrdreg $0xFFFFFFFF;
	(pc) =	sbr.abs _section_cstart, $3  }
0xc2: {  	[dreg:$0x1] =	wrdreg $0xFFFFFFFF  }
0xc3: {  	_ =	task.clear_ibuf [dreg:s8], $0x2FFFF;
	_ =	strace $0x9FFFFFFF  }
0xc4: {  	(tm) =	ssettm $0x7FFFFFFF  }
0xc5: {  	_ =	shalt  }
tec
execute0_lowered:
.L_overlay_start_1:
0x0: {  	(tag) =	ssettag $0x1  }
0x1: {  	s0 =	srdreg.scid  }
0x2: {  	s3 =	stileid.u32;
	s0 =	sand.u32 $0x1, s0  }
0x3: {  	s1 =	rddreg [dreg:$0x0];
	s3 =	sshll.u32 s3, $0x7;
	s4 =	sshll.u32 s0, $0x6  }
0x4: {  	s2 =	rddreg [dreg:$0x1];
	s4 =	sor.u32 s4, s3  }
0x5: {  	s5 =	rddreg [dreg:$0x2];
	s3 =	simm.s32 $0x0;
	s6 =	smul.u32 $0x480, s4  }
0x6: {  	[smem:$0x7FF] =	sst s3;
	s7 =	smul.u32 $0x2400, s4  }
0x7: {  	s5 =	sadd.s32 $0xA00, s5;
	s1 =	sadd.s32 s1, s4;
	_ =	strace $0x80000047  }
0x8: {  	[dreg:$0x4] =	wrdreg s1;
	s6 =	sadd.s32 s5, s6;
	s13 =	sshrl.u32 s7, $0x3  }
0x9: {  	[dreg:$0x14] =	wrdreg s6;
	s14 =	sadd.s32 $0x1200, s6;
	s4 =	sadd.s32 s5, s13  }
0xa: {  	[dreg:$0x5] =	wrdreg s14;
	s15 =	sadd.s32 $0x2400, s4  }
0xb: {  	s16 =	sadd.s32 $0x3600, s4;
	[dreg:$0x6] =	wrdreg s15  }
0xc: {  	s17 =	sadd.s32 $0x4800, s4;
	[dreg:$0x7] =	wrdreg s16  }
0xd: {  	s18 =	sadd.s32 $0x5A00, s4;
	[dreg:$0x8] =	wrdreg s17  }
0xe: {  	s19 =	sadd.s32 $0x6C00, s4;
	[dreg:$0x9] =	wrdreg s18  }
0xf: {  	s9 =	simm.s32 $0x3;
	s20 =	sadd.s32 $0x7E00, s4;
	[dreg:$0xa] =	wrdreg s19  }
0x10: {  	s10 =	simm.s32 $0x200;
	s21 =	sadd.s32 $0x9000, s4;
	[dreg:$0xb] =	wrdreg s20  }
0x11: {  	s0 =	ssub.s32 $0x2, s0;
	s22 =	sadd.s32 $0xA200, s4;
	[dreg:$0xc] =	wrdreg s21  }
0x12: {  	s24 =	sshrl.u32 s0, $0x1;
	s23 =	sadd.s32 $0xB400, s4;
	[dreg:$0xd] =	wrdreg s22  }
0x13: {  	s0 =	ssub.s32 s0, s24;
	s25 =	sadd.s32 $0xC600, s4;
	[dreg:$0xe] =	wrdreg s23  }
0x14: {  	s28 =	smax.u32 s0, $0x1;
	s26 =	sadd.s32 $0xD800, s4;
	[dreg:$0xf] =	wrdreg s25  }
0x15: {  	s7 =	sadd.s32 $0x300, s2;
	s29 =	sadd.s32 $0xEA00, s4;
	[dreg:$0x10] =	wrdreg s26  }
0x16: {  	s5 =	sadd.s32 $0x100, s2;
	s30 =	sadd.s32 $0xFC00, s4;
	[dreg:$0x11] =	wrdreg s29  }
0x17: {  	v2 =	vlaneseq.u32;
	s6 =	sadd.s32 $0x200, s2;
	s31 =	sadd.s32 $0x10E00, s4;
	[dreg:$0x12] =	wrdreg s30  }
0x18: {  	vm0 =	vmmov $0xffff;
	v1 =	vshrl.u32 v2, $0x3;
	[dreg:$0x13] =	wrdreg s31;
	s26 =	simm.s32 $0x8200;
	s19 =	simm.s32 $0x1  }
0x19: {  	v0 =	vand.u32 $0x7, v2;
	v2 =	vor.u32 $0x8, v2;
	v1 =	vmul.u32 $0x8, v1;
	s20 =	simm.s32 $0x2000;
	s21 =	simm.s32 $0x2400;
	s22 =	simm.s32 $0x2  }
.LBB2_1:
0x1a: {  	s23 =	rddreg [dreg:$0x4]  }
0x1b: {  	[tilespmem:s3], [sflag:$0x3] =	stream.linear.gather [hbm4b:s23+s3], $0x200, $0x38;
	[tilespmem:$0x10200] =	vst v63  }
0x1c: {  	_ =	swait.ge [sflag:s9], $0x200  }
0x1d: {  	[sflag:s9] =	ssyncset.done $0x0  }
0x1e: {  	[sflag:s9] =	ssyncadd.s32 $0xFFFFFE00  }
0x1f: {  	v3 =	vld [tilespmem:$0x0];
	_ =	sdelay $0x4  }
0x20: {  	v4 =	vshll.u32 v3, $0x3  }
0x21: {  	v3 =	vand.u32 $0x7, v3;
	v4 =	vand.u32 $0xFFFFFFC0, v4  }
0x22: {  	v3 =	vor.u32 v3, v4  }
0x23: {  	v4 =	vperm.xlane v3, v0;
	_ =	sdelay $0x1  }
0x24: {  	v4 =	vadd.s32 v1, v4;
	_ =	sdelay $0x4  }
0x25: {  	[tilespmem:s10], [sflag:$0x1] =	stream.indirect_vreg.gather [hbm4b:s2+s3], $0x80, v4, vm0, $0xb8;
	[tilespmem:$0x10200] =	vst v63  }
0x26: {  	s0 =	simm.s32 $0xA00;
	v3 =	vperm.xlane v3, v2  }
0x27: {  	[tilespmem:s0], [sflag:$0x1] =	stream.indirect_vreg.gather [hbm4b:s5+s3], $0x80, v4, vm0, $0xb8;
	[tilespmem:$0x10200] =	vst v63  }
0x28: {  	s29 =	simm.s32 $0x1200;
	v3 =	vadd.s32 v1, v3  }
0x29: {  	[tilespmem:s29], [sflag:$0x1] =	stream.indirect_vreg.gather [hbm4b:s6+s3], $0x80, v4, vm0, $0xb8;
	[tilespmem:$0x10200] =	vst v63  }
0x2a: {  	s30 =	simm.s32 $0x1A00  }
0x2b: {  	[tilespmem:s30], [sflag:$0x1] =	stream.indirect_vreg.gather [hbm4b:s7+s3], $0x80, v4, vm0, $0xb8;
	[tilespmem:$0x10200] =	vst v63  }
0x2c: {  	s31 =	simm.s32 $0x2200  }
0x2d: {  	[tilespmem:s31], [sflag:$0x1] =	stream.indirect_vreg.gather [hbm4b:s2+s3], $0x80, v3, vm0, $0xb8;
	[tilespmem:$0x10200] =	vst v63  }
0x2e: {  	s8 =	simm.s32 $0x2A00  }
0x2f: {  	[tilespmem:s8], [sflag:$0x1] =	stream.indirect_vreg.gather [hbm4b:s5+s3], $0x80, v3, vm0, $0xb8;
	[tilespmem:$0x10200] =	vst v63  }
0x30: {  	s11 =	simm.s32 $0x3200  }
0x31: {  	[tilespmem:s11], [sflag:$0x1] =	stream.indirect_vreg.gather [hbm4b:s6+s3], $0x80, v3, vm0, $0xb8;
	[tilespmem:$0x10200] =	vst v63  }
0x32: {  	s12 =	simm.s32 $0x3A00  }
0x33: {  	[tilespmem:s12], [sflag:$0x1] =	stream.indirect_vreg.gather [hbm4b:s7+s3], $0x80, v3, vm0, $0xb8;
	[tilespmem:$0x10200] =	vst v63  }
0x34: {  	v3 =	vld [tilespmem:$0x10];
	_ =	sdelay $0x4  }
0x35: {  	v33 =	vshll.u32 v3, $0x3  }
0x36: {  	v3 =	vand.u32 $0x7, v3;
	v4 =	vand.u32 $0xFFFFFFC0, v33  }
0x37: {  	v3 =	vor.u32 v3, v4  }
0x38: {  	v4 =	vperm.xlane v3, v0;
	_ =	sdelay $0x1  }
0x39: {  	v4 =	vadd.s32 v1, v4;
	_ =	sdelay $0x3  }
0x3a: {  	s13 =	simm.s32 $0x4200  }
0x3b: {  	[tilespmem:s13], [sflag:$0x1] =	stream.indirect_vreg.gather [hbm4b:s2+s3], $0x80, v4, vm0, $0xb8;
	[tilespmem:$0x10200] =	vst v63  }
0x3c: {  	s14 =	simm.s32 $0x4A00;
	v3 =	vperm.xlane v3, v2  }
0x3d: {  	[tilespmem:s14], [sflag:$0x1] =	stream.indirect_vreg.gather [hbm4b:s5+s3], $0x80, v4, vm0, $0xb8;
	[tilespmem:$0x10200] =	vst v63  }
0x3e: {  	s18 =	simm.s32 $0x5200;
	v3 =	vadd.s32 v1, v3  }
0x3f: {  	[tilespmem:s18], [sflag:$0x1] =	stream.indirect_vreg.gather [hbm4b:s6+s3], $0x80, v4, vm0, $0xb8;
	[tilespmem:$0x10200] =	vst v63  }
0x40: {  	s23 =	simm.s32 $0x5A00  }
0x41: {  	[tilespmem:s23], [sflag:$0x1] =	stream.indirect_vreg.gather [hbm4b:s7+s3], $0x80, v4, vm0, $0xb8;
	[tilespmem:$0x10200] =	vst v63  }
0x42: {  	s24 =	simm.s32 $0x6200  }
0x43: {  	[tilespmem:s24], [sflag:$0x1] =	stream.indirect_vreg.gather [hbm4b:s2+s3], $0x80, v3, vm0, $0xb8;
	[tilespmem:$0x10200] =	vst v63  }
0x44: {  	s25 =	simm.s32 $0x6A00  }
0x45: {  	[tilespmem:s25], [sflag:$0x1] =	stream.indirect_vreg.gather [hbm4b:s5+s3], $0x80, v3, vm0, $0xb8;
	[tilespmem:$0x10200] =	vst v63  }
0x46: {  	s29 =	simm.s32 $0x7200  }
0x47: {  	[tilespmem:s29], [sflag:$0x1] =	stream.indirect_vreg.gather [hbm4b:s6+s3], $0x80, v3, vm0, $0xb8;
	[tilespmem:$0x10200] =	vst v63  }
0x48: {  	s30 =	simm.s32 $0x7A00  }
0x49: {  	[tilespmem:s30], [sflag:$0x1] =	stream.indirect_vreg.gather [hbm4b:s7+s3], $0x80, v3, vm0, $0xb8;
	[tilespmem:$0x10200] =	vst v63  }
0x4a: {  	v3 =	vld [tilespmem:$0x20];
	_ =	sdelay $0x4  }
0x4b: {  	v34 =	vshll.u32 v3, $0x3  }
0x4c: {  	v3 =	vand.u32 $0x7, v3;
	v4 =	vand.u32 $0xFFFFFFC0, v34  }
0x4d: {  	v3 =	vor.u32 v3, v4  }
0x4e: {  	v4 =	vperm.xlane v3, v0;
	_ =	sdelay $0x1  }
0x4f: {  	v4 =	vadd.s32 v1, v4;
	_ =	sdelay $0x4  }
0x50: {  	[tilespmem:s26], [sflag:$0x2] =	stream.indirect_vreg.gather [hbm4b:s2+s3], $0x80, v4, vm0, $0xb8;
	[tilespmem:$0x10200] =	vst v63  }
0x51: {  	s31 =	simm.s32 $0x8A00;
	v3 =	vperm.xlane v3, v2  }
0x52: {  	[tilespmem:s31], [sflag:$0x2] =	stream.indirect_vreg.gather [hbm4b:s5+s3], $0x80, v4, vm0, $0xb8;
	[tilespmem:$0x10200] =	vst v63  }
0x53: {  	s11 =	simm.s32 $0x9200;
	v3 =	vadd.s32 v1, v3  }
0x54: {  	[tilespmem:s11], [sflag:$0x2] =	stream.indirect_vreg.gather [hbm4b:s6+s3], $0x80, v4, vm0, $0xb8;
	[tilespmem:$0x10200] =	vst v63  }
0x55: {  	s12 =	simm.s32 $0x9A00  }
0x56: {  	[tilespmem:s12], [sflag:$0x2] =	stream.indirect_vreg.gather [hbm4b:s7+s3], $0x80, v4, vm0, $0xb8;
	[tilespmem:$0x10200] =	vst v63  }
0x57: {  	s13 =	simm.s32 $0xA200  }
0x58: {  	[tilespmem:s13], [sflag:$0x2] =	stream.indirect_vreg.gather [hbm4b:s2+s3], $0x80, v3, vm0, $0xb8;
	[tilespmem:$0x10200] =	vst v63  }
0x59: {  	s14 =	simm.s32 $0xAA00  }
0x5a: {  	[tilespmem:s14], [sflag:$0x2] =	stream.indirect_vreg.gather [hbm4b:s5+s3], $0x80, v3, vm0, $0xb8;
	[tilespmem:$0x10200] =	vst v63  }
0x5b: {  	s18 =	simm.s32 $0xB200  }
0x5c: {  	[tilespmem:s18], [sflag:$0x2] =	stream.indirect_vreg.gather [hbm4b:s6+s3], $0x80, v3, vm0, $0xb8;
	[tilespmem:$0x10200] =	vst v63  }
0x5d: {  	s24 =	simm.s32 $0xBA00  }
0x5e: {  	[tilespmem:s24], [sflag:$0x2] =	stream.indirect_vreg.gather [hbm4b:s7+s3], $0x80, v3, vm0, $0xb8;
	[tilespmem:$0x10200] =	vst v63  }
0x5f: {  	v3 =	vld [tilespmem:$0x30];
	_ =	sdelay $0x4  }
0x60: {  	v35 =	vshll.u32 v3, $0x3  }
0x61: {  	v3 =	vand.u32 $0x7, v3;
	v4 =	vand.u32 $0xFFFFFFC0, v35  }
0x62: {  	v3 =	vor.u32 v3, v4  }
0x63: {  	v4 =	vperm.xlane v3, v0;
	_ =	sdelay $0x1  }
0x64: {  	v4 =	vadd.s32 v1, v4;
	_ =	sdelay $0x3  }
0x65: {  	s25 =	simm.s32 $0xC200  }
0x66: {  	[tilespmem:s25], [sflag:$0x2] =	stream.indirect_vreg.gather [hbm4b:s2+s3], $0x80, v4, vm0, $0xb8;
	[tilespmem:$0x10200] =	vst v63  }
0x67: {  	s29 =	simm.s32 $0xCA00;
	v3 =	vperm.xlane v3, v2  }
0x68: {  	[tilespmem:s29], [sflag:$0x2] =	stream.indirect_vreg.gather [hbm4b:s5+s3], $0x80, v4, vm0, $0xb8;
	[tilespmem:$0x10200] =	vst v63  }
0x69: {  	s30 =	simm.s32 $0xD200;
	v3 =	vadd.s32 v1, v3  }
0x6a: {  	[tilespmem:s30], [sflag:$0x2] =	stream.indirect_vreg.gather [hbm4b:s6+s3], $0x80, v4, vm0, $0xb8;
	[tilespmem:$0x10200] =	vst v63  }
0x6b: {  	s31 =	simm.s32 $0xDA00  }
0x6c: {  	[tilespmem:s31], [sflag:$0x2] =	stream.indirect_vreg.gather [hbm4b:s7+s3], $0x80, v4, vm0, $0xb8;
	[tilespmem:$0x10200] =	vst v63  }
0x6d: {  	s0 =	simm.s32 $0xE200  }
0x6e: {  	[tilespmem:s0], [sflag:$0x2] =	stream.indirect_vreg.gather [hbm4b:s2+s3], $0x80, v3, vm0, $0xb8;
	[tilespmem:$0x10200] =	vst v63  }
0x6f: {  	s11 =	simm.s32 $0xEA00  }
0x70: {  	[tilespmem:s11], [sflag:$0x2] =	stream.indirect_vreg.gather [hbm4b:s5+s3], $0x80, v3, vm0, $0xb8;
	[tilespmem:$0x10200] =	vst v63  }
0x71: {  	s18 =	simm.s32 $0xF200  }
0x72: {  	[tilespmem:s18], [sflag:$0x2] =	stream.indirect_vreg.gather [hbm4b:s6+s3], $0x80, v3, vm0, $0xb8;
	[tilespmem:$0x10200] =	vst v63  }
0x73: {  	s24 =	simm.s32 $0xFA00  }
0x74: {  	[tilespmem:s24], [sflag:$0x2] =	stream.indirect_vreg.gather [hbm4b:s7+s3], $0x80, v3, vm0, $0xb8;
	[tilespmem:$0x10200] =	vst v63  }
0x75: {  	_ =	swait.ge [sflag:s19], $0x8000  }
0x76: {  	[sflag:s19] =	ssyncset.done $0x0  }
0x77: {  	s25 =	rddreg [dreg:$0x14];
	[sflag:s19] =	ssyncadd.s32 $0xFFFF8000  }
0x78: {  	[hbm4b:s25+s20] =	stream.strided.scatter [tilespmem:s10], [sflag:$0x3], $0x8000, s21, s20, $0x38;
	[tilespmem:$0x10200] =	vst v63  }
0x79: {  	_ =	swait.ge [sflag:s9], $0x8000  }
0x7a: {  	[sflag:s9] =	ssyncset.done $0x0  }
0x7b: {  	[sflag:s9] =	ssyncadd.s32 $0xFFFF8000  }
0x7c: {  	v3 =	vld [tilespmem:$0x40];
	_ =	sdelay $0x4  }
0x7d: {  	v36 =	vshll.u32 v3, $0x3  }
0x7e: {  	v3 =	vand.u32 $0x7, v3;
	v4 =	vand.u32 $0xFFFFFFC0, v36  }
0x7f: {  	v3 =	vor.u32 v3, v4  }
0x80: {  	v4 =	vperm.xlane v3, v0;
	_ =	sdelay $0x1  }
0x81: {  	v4 =	vadd.s32 v1, v4;
	_ =	sdelay $0x4  }
0x82: {  	[tilespmem:s10], [sflag:$0x1] =	stream.indirect_vreg.gather [hbm4b:s2+s3], $0x80, v4, vm0, $0xb8;
	[tilespmem:$0x10200] =	vst v63  }
0x83: {  	s16 =	simm.s32 $0xA00;
	v3 =	vperm.xlane v3, v2  }
0x84: {  	[tilespmem:s16], [sflag:$0x1] =	stream.indirect_vreg.gather [hbm4b:s5+s3], $0x80, v4, vm0, $0xb8;
	[tilespmem:$0x10200] =	vst v63  }
0x85: {  	s1 =	simm.s32 $0x1200;
	v3 =	vadd.s32 v1, v3  }
0x86: {  	[tilespmem:s1], [sflag:$0x1] =	stream.indirect_vreg.gather [hbm4b:s6+s3], $0x80, v4, vm0, $0xb8;
	[tilespmem:$0x10200] =	vst v63  }
0x87: {  	s4 =	simm.s32 $0x1A00  }
0x88: {  	[tilespmem:s4], [sflag:$0x1] =	stream.indirect_vreg.gather [hbm4b:s7+s3], $0x80, v4, vm0, $0xb8;
	[tilespmem:$0x10200] =	vst v63  }
0x89: {  	s4 =	simm.s32 $0x2200  }
0x8a: {  	[tilespmem:s4], [sflag:$0x1] =	stream.indirect_vreg.gather [hbm4b:s2+s3], $0x80, v3, vm0, $0xb8;
	[tilespmem:$0x10200] =	vst v63  }
0x8b: {  	s8 =	simm.s32 $0x2A00  }
0x8c: {  	[tilespmem:s8], [sflag:$0x1] =	stream.indirect_vreg.gather [hbm4b:s5+s3], $0x80, v3, vm0, $0xb8;
	[tilespmem:$0x10200] =	vst v63  }
0x8d: {  	s15 =	simm.s32 $0x3200  }
0x8e: {  	[tilespmem:s15], [sflag:$0x1] =	stream.indirect_vreg.gather [hbm4b:s6+s3], $0x80, v3, vm0, $0xb8;
	[tilespmem:$0x10200] =	vst v63  }
0x8f: {  	s17 =	simm.s32 $0x3A00  }
0x90: {  	[tilespmem:s17], [sflag:$0x1] =	stream.indirect_vreg.gather [hbm4b:s7+s3], $0x80, v3, vm0, $0xb8;
	[tilespmem:$0x10200] =	vst v63  }
0x91: {  	v3 =	vld [tilespmem:$0x50];
	_ =	sdelay $0x4  }
0x92: {  	v37 =	vshll.u32 v3, $0x3  }
0x93: {  	v3 =	vand.u32 $0x7, v3;
	v4 =	vand.u32 $0xFFFFFFC0, v37  }
0x94: {  	v3 =	vor.u32 v3, v4  }
0x95: {  	v4 =	vperm.xlane v3, v0;
	_ =	sdelay $0x1  }
0x96: {  	v4 =	vadd.s32 v1, v4;
	_ =	sdelay $0x3  }
0x97: {  	s18 =	simm.s32 $0x4200  }
0x98: {  	[tilespmem:s18], [sflag:$0x1] =	stream.indirect_vreg.gather [hbm4b:s2+s3], $0x80, v4, vm0, $0xb8;
	[tilespmem:$0x10200] =	vst v63  }
0x99: {  	s24 =	simm.s32 $0x4A00;
	v3 =	vperm.xlane v3, v2  }
0x9a: {  	[tilespmem:s24], [sflag:$0x1] =	stream.indirect_vreg.gather [hbm4b:s5+s3], $0x80, v4, vm0, $0xb8;
	[tilespmem:$0x10200] =	vst v63  }
0x9b: {  	s1 =	simm.s32 $0x5200;
	v3 =	vadd.s32 v1, v3  }
0x9c: {  	[tilespmem:s1], [sflag:$0x1] =	stream.indirect_vreg.gather [hbm4b:s6+s3], $0x80, v4, vm0, $0xb8;
	[tilespmem:$0x10200] =	vst v63  }
0x9d: {  	s8 =	simm.s32 $0x5A00  }
0x9e: {  	[tilespmem:s8], [sflag:$0x1] =	stream.indirect_vreg.gather [hbm4b:s7+s3], $0x80, v4, vm0, $0xb8;
	[tilespmem:$0x10200] =	vst v63  }
0x9f: {  	s15 =	simm.s32 $0x6200  }
0xa0: {  	[tilespmem:s15], [sflag:$0x1] =	stream.indirect_vreg.gather [hbm4b:s2+s3], $0x80, v3, vm0, $0xb8;
	[tilespmem:$0x10200] =	vst v63  }
0xa1: {  	s16 =	simm.s32 $0x6A00  }
0xa2: {  	[tilespmem:s16], [sflag:$0x1] =	stream.indirect_vreg.gather [hbm4b:s5+s3], $0x80, v3, vm0, $0xb8;
	[tilespmem:$0x10200] =	vst v63  }
0xa3: {  	s17 =	simm.s32 $0x7200  }
0xa4: {  	[tilespmem:s17], [sflag:$0x1] =	stream.indirect_vreg.gather [hbm4b:s6+s3], $0x80, v3, vm0, $0xb8;
	[tilespmem:$0x10200] =	vst v63  }
0xa5: {  	s25 =	simm.s32 $0x7A00  }
0xa6: {  	[tilespmem:s25], [sflag:$0x1] =	stream.indirect_vreg.gather [hbm4b:s7+s3], $0x80, v3, vm0, $0xb8;
	[tilespmem:$0x10200] =	vst v63  }
0xa7: {  	_ =	swait.ge [sflag:s22], $0x8000  }
0xa8: {  	[sflag:s22] =	ssyncset.done $0x0  }
0xa9: {  	s0 =	rddreg [dreg:$0x5];
	[sflag:s22] =	ssyncadd.s32 $0xFFFF8000  }
0xaa: {  	[hbm4b:s0+s20] =	stream.strided.scatter [tilespmem:s26], [sflag:$0x3], $0x8000, s21, s20, $0x38;
	[tilespmem:$0x10200] =	vst v63  }
0xab: {  	_ =	swait.ge [sflag:s9], $0x8000  }
0xac: {  	[sflag:s9] =	ssyncset.done $0x0  }
0xad: {  	[sflag:s9] =	ssyncadd.s32 $0xFFFF8000  }
0xae: {  	v3 =	vld [tilespmem:$0x60];
	_ =	sdelay $0x4  }
0xaf: {  	v38 =	vshll.u32 v3, $0x3  }
0xb0: {  	v3 =	vand.u32 $0x7, v3;
	v4 =	vand.u32 $0xFFFFFFC0, v38  }
0xb1: {  	v3 =	vor.u32 v3, v4  }
0xb2: {  	v4 =	vperm.xlane v3, v0;
	_ =	sdelay $0x1  }
0xb3: {  	v4 =	vadd.s32 v1, v4;
	_ =	sdelay $0x4  }
0xb4: {  	[tilespmem:s26], [sflag:$0x2] =	stream.indirect_vreg.gather [hbm4b:s2+s3], $0x80, v4, vm0, $0xb8;
	[tilespmem:$0x10200] =	vst v63  }
0xb5: {  	s0 =	simm.s32 $0x8A00;
	v3 =	vperm.xlane v3, v2  }
0xb6: {  	[tilespmem:s0], [sflag:$0x2] =	stream.indirect_vreg.gather [hbm4b:s5+s3], $0x80, v4, vm0, $0xb8;
	[tilespmem:$0x10200] =	vst v63  }
0xb7: {  	s23 =	simm.s32 $0x9200;
	v3 =	vadd.s32 v1, v3  }
0xb8: {  	[tilespmem:s23], [sflag:$0x2] =	stream.indirect_vreg.gather [hbm4b:s6+s3], $0x80, v4, vm0, $0xb8;
	[tilespmem:$0x10200] =	vst v63  }
0xb9: {  	s23 =	simm.s32 $0x9A00  }
0xba: {  	[tilespmem:s23], [sflag:$0x2] =	stream.indirect_vreg.gather [hbm4b:s7+s3], $0x80, v4, vm0, $0xb8;
	[tilespmem:$0x10200] =	vst v63  }
0xbb: {  	s23 =	simm.s32 $0xA200  }
0xbc: {  	[tilespmem:s23], [sflag:$0x2] =	stream.indirect_vreg.gather [hbm4b:s2+s3], $0x80, v3, vm0, $0xb8;
	[tilespmem:$0x10200] =	vst v63  }
0xbd: {  	s23 =	simm.s32 $0xAA00  }
0xbe: {  	[tilespmem:s23], [sflag:$0x2] =	stream.indirect_vreg.gather [hbm4b:s5+s3], $0x80, v3, vm0, $0xb8;
	[tilespmem:$0x10200] =	vst v63  }
0xbf: {  	s23 =	simm.s32 $0xB200  }
0xc0: {  	[tilespmem:s23], [sflag:$0x2] =	stream.indirect_vreg.gather [hbm4b:s6+s3], $0x80, v3, vm0, $0xb8;
	[tilespmem:$0x10200] =	vst v63  }
0xc1: {  	s12 =	simm.s32 $0xBA00  }
0xc2: {  	[tilespmem:s12], [sflag:$0x2] =	stream.indirect_vreg.gather [hbm4b:s7+s3], $0x80, v3, vm0, $0xb8;
	[tilespmem:$0x10200] =	vst v63  }
0xc3: {  	v3 =	vld [tilespmem:$0x70];
	_ =	sdelay $0x4  }
0xc4: {  	v39 =	vshll.u32 v3, $0x3  }
0xc5: {  	v3 =	vand.u32 $0x7, v3;
	v4 =	vand.u32 $0xFFFFFFC0, v39  }
0xc6: {  	v3 =	vor.u32 v3, v4  }
0xc7: {  	v4 =	vperm.xlane v3, v0;
	_ =	sdelay $0x1  }
0xc8: {  	v4 =	vadd.s32 v1, v4;
	_ =	sdelay $0x3  }
0xc9: {  	s13 =	simm.s32 $0xC200  }
0xca: {  	[tilespmem:s13], [sflag:$0x2] =	stream.indirect_vreg.gather [hbm4b:s2+s3], $0x80, v4, vm0, $0xb8;
	[tilespmem:$0x10200] =	vst v63  }
0xcb: {  	s14 =	simm.s32 $0xCA00;
	v3 =	vperm.xlane v3, v2  }
0xcc: {  	[tilespmem:s14], [sflag:$0x2] =	stream.indirect_vreg.gather [hbm4b:s5+s3], $0x80, v4, vm0, $0xb8;
	[tilespmem:$0x10200] =	vst v63  }
0xcd: {  	s29 =	simm.s32 $0xD200;
	v3 =	vadd.s32 v1, v3  }
0xce: {  	[tilespmem:s29], [sflag:$0x2] =	stream.indirect_vreg.gather [hbm4b:s6+s3], $0x80, v4, vm0, $0xb8;
	[tilespmem:$0x10200] =	vst v63  }
0xcf: {  	s30 =	simm.s32 $0xDA00  }
0xd0: {  	[tilespmem:s30], [sflag:$0x2] =	stream.indirect_vreg.gather [hbm4b:s7+s3], $0x80, v4, vm0, $0xb8;
	[tilespmem:$0x10200] =	vst v63  }
0xd1: {  	s31 =	simm.s32 $0xE200  }
0xd2: {  	[tilespmem:s31], [sflag:$0x2] =	stream.indirect_vreg.gather [hbm4b:s2+s3], $0x80, v3, vm0, $0xb8;
	[tilespmem:$0x10200] =	vst v63  }
0xd3: {  	s13 =	simm.s32 $0xEA00  }
0xd4: {  	[tilespmem:s13], [sflag:$0x2] =	stream.indirect_vreg.gather [hbm4b:s5+s3], $0x80, v3, vm0, $0xb8;
	[tilespmem:$0x10200] =	vst v63  }
0xd5: {  	s23 =	simm.s32 $0xF200  }
0xd6: {  	[tilespmem:s23], [sflag:$0x2] =	stream.indirect_vreg.gather [hbm4b:s6+s3], $0x80, v3, vm0, $0xb8;
	[tilespmem:$0x10200] =	vst v63  }
0xd7: {  	s11 =	simm.s32 $0xFA00  }
0xd8: {  	[tilespmem:s11], [sflag:$0x2] =	stream.indirect_vreg.gather [hbm4b:s7+s3], $0x80, v3, vm0, $0xb8;
	[tilespmem:$0x10200] =	vst v63  }
0xd9: {  	_ =	swait.ge [sflag:s19], $0x8000  }
0xda: {  	[sflag:s19] =	ssyncset.done $0x0  }
0xdb: {  	s31 =	rddreg [dreg:$0x6];
	[sflag:s19] =	ssyncadd.s32 $0xFFFF8000  }
0xdc: {  	[hbm4b:s31+s20] =	stream.strided.scatter [tilespmem:s10], [sflag:$0x3], $0x8000, s21, s20, $0x38;
	[tilespmem:$0x10200] =	vst v63  }
0xdd: {  	_ =	swait.ge [sflag:s9], $0x8000  }
0xde: {  	[sflag:s9] =	ssyncset.done $0x0  }
0xdf: {  	[sflag:s9] =	ssyncadd.s32 $0xFFFF8000  }
0xe0: {  	v3 =	vld [tilespmem:$0x80];
	_ =	sdelay $0x4  }
0xe1: {  	v40 =	vshll.u32 v3, $0x3  }
0xe2: {  	v3 =	vand.u32 $0x7, v3;
	v4 =	vand.u32 $0xFFFFFFC0, v40  }
0xe3: {  	v3 =	vor.u32 v3, v4  }
0xe4: {  	v4 =	vperm.xlane v3, v0;
	_ =	sdelay $0x1  }
0xe5: {  	v4 =	vadd.s32 v1, v4;
	_ =	sdelay $0x4  }
0xe6: {  	[tilespmem:s10], [sflag:$0x1] =	stream.indirect_vreg.gather [hbm4b:s2+s3], $0x80, v4, vm0, $0xb8;
	[tilespmem:$0x10200] =	vst v63  }
0xe7: {  	s31 =	simm.s32 $0xA00;
	v3 =	vperm.xlane v3, v2  }
0xe8: {  	[tilespmem:s31], [sflag:$0x1] =	stream.indirect_vreg.gather [hbm4b:s5+s3], $0x80, v4, vm0, $0xb8;
	[tilespmem:$0x10200] =	vst v63  }
0xe9: {  	v3 =	vadd.s32 v1, v3;
	s31 =	simm.s32 $0x1200  }
0xea: {  	[tilespmem:s31], [sflag:$0x1] =	stream.indirect_vreg.gather [hbm4b:s6+s3], $0x80, v4, vm0, $0xb8;
	[tilespmem:$0x10200] =	vst v63  }
0xeb: {  	s31 =	simm.s32 $0x1A00  }
0xec: {  	[tilespmem:s31], [sflag:$0x1] =	stream.indirect_vreg.gather [hbm4b:s7+s3], $0x80, v4, vm0, $0xb8;
	[tilespmem:$0x10200] =	vst v63  }
0xed: {  	_ = 	snop  }
0xee: {  	[tilespmem:s4], [sflag:$0x1] =	stream.indirect_vreg.gather [hbm4b:s2+s3], $0x80, v3, vm0, $0xb8;
	[tilespmem:$0x10200] =	vst v63  }
0xef: {  	s23 =	simm.s32 $0x2A00  }
0xf0: {  	[tilespmem:s23], [sflag:$0x1] =	stream.indirect_vreg.gather [hbm4b:s5+s3], $0x80, v3, vm0, $0xb8;
	[tilespmem:$0x10200] =	vst v63  }
0xf1: {  	s31 =	simm.s32 $0x3200  }
0xf2: {  	[tilespmem:s31], [sflag:$0x1] =	stream.indirect_vreg.gather [hbm4b:s6+s3], $0x80, v3, vm0, $0xb8;
	[tilespmem:$0x10200] =	vst v63  }
0xf3: {  	s23 =	simm.s32 $0x3A00  }
0xf4: {  	[tilespmem:s23], [sflag:$0x1] =	stream.indirect_vreg.gather [hbm4b:s7+s3], $0x80, v3, vm0, $0xb8;
	[tilespmem:$0x10200] =	vst v63  }
0xf5: {  	v3 =	vld [tilespmem:$0x90];
	_ =	sdelay $0x4  }
0xf6: {  	v41 =	vshll.u32 v3, $0x3  }
0xf7: {  	v3 =	vand.u32 $0x7, v3;
	v4 =	vand.u32 $0xFFFFFFC0, v41  }
0xf8: {  	v3 =	vor.u32 v3, v4  }
0xf9: {  	v4 =	vperm.xlane v3, v0;
	_ =	sdelay $0x1  }
0xfa: {  	v4 =	vadd.s32 v1, v4;
	_ =	sdelay $0x4  }
0xfb: {  	[tilespmem:s18], [sflag:$0x1] =	stream.indirect_vreg.gather [hbm4b:s2+s3], $0x80, v4, vm0, $0xb8;
	[tilespmem:$0x10200] =	vst v63  }
0xfc: {  	v3 =	vperm.xlane v3, v2  }
0xfd: {  	[tilespmem:s24], [sflag:$0x1] =	stream.indirect_vreg.gather [hbm4b:s5+s3], $0x80, v4, vm0, $0xb8;
	[tilespmem:$0x10200] =	vst v63  }
0xfe: {  	v3 =	vadd.s32 v1, v3  }
0xff: {  	[tilespmem:s1], [sflag:$0x1] =	stream.indirect_vreg.gather [hbm4b:s6+s3], $0x80, v4, vm0, $0xb8;
	[tilespmem:$0x10200] =	vst v63  }
0x100: {  	_ = 	snop  }
0x101: {  	[tilespmem:s8], [sflag:$0x1] =	stream.indirect_vreg.gather [hbm4b:s7+s3], $0x80, v4, vm0, $0xb8;
	[tilespmem:$0x10200] =	vst v63  }
0x102: {  	_ = 	snop  }
0x103: {  	[tilespmem:s15], [sflag:$0x1] =	stream.indirect_vreg.gather [hbm4b:s2+s3], $0x80, v3, vm0, $0xb8;
	[tilespmem:$0x10200] =	vst v63  }
0x104: {  	_ = 	snop  }
0x105: {  	[tilespmem:s16], [sflag:$0x1] =	stream.indirect_vreg.gather [hbm4b:s5+s3], $0x80, v3, vm0, $0xb8;
	[tilespmem:$0x10200] =	vst v63  }
0x106: {  	_ = 	snop  }
0x107: {  	[tilespmem:s17], [sflag:$0x1] =	stream.indirect_vreg.gather [hbm4b:s6+s3], $0x80, v3, vm0, $0xb8;
	[tilespmem:$0x10200] =	vst v63  }
0x108: {  	_ = 	snop  }
0x109: {  	[tilespmem:s25], [sflag:$0x1] =	stream.indirect_vreg.gather [hbm4b:s7+s3], $0x80, v3, vm0, $0xb8;
	[tilespmem:$0x10200] =	vst v63  }
0x10a: {  	_ =	swait.ge [sflag:s22], $0x8000  }
0x10b: {  	[sflag:s22] =	ssyncset.done $0x0  }
0x10c: {  	s25 =	rddreg [dreg:$0x7];
	[sflag:s22] =	ssyncadd.s32 $0xFFFF8000  }
0x10d: {  	[hbm4b:s25+s20] =	stream.strided.scatter [tilespmem:s26], [sflag:$0x3], $0x8000, s21, s20, $0x38;
	[tilespmem:$0x10200] =	vst v63  }
0x10e: {  	_ =	swait.ge [sflag:s9], $0x8000  }
0x10f: {  	[sflag:s9] =	ssyncset.done $0x0  }
0x110: {  	[sflag:s9] =	ssyncadd.s32 $0xFFFF8000  }
0x111: {  	v3 =	vld [tilespmem:$0xA0];
	_ =	sdelay $0x4  }
0x112: {  	v42 =	vshll.u32 v3, $0x3  }
0x113: {  	v3 =	vand.u32 $0x7, v3;
	v4 =	vand.u32 $0xFFFFFFC0, v42  }
0x114: {  	v3 =	vor.u32 v3, v4  }
0x115: {  	v4 =	vperm.xlane v3, v0;
	_ =	sdelay $0x1  }
0x116: {  	v4 =	vadd.s32 v1, v4;
	_ =	sdelay $0x4  }
0x117: {  	[tilespmem:s26], [sflag:$0x2] =	stream.indirect_vreg.gather [hbm4b:s2+s3], $0x80, v4, vm0, $0xb8;
	[tilespmem:$0x10200] =	vst v63  }
0x118: {  	v3 =	vperm.xlane v3, v2  }
0x119: {  	[tilespmem:s0], [sflag:$0x2] =	stream.indirect_vreg.gather [hbm4b:s5+s3], $0x80, v4, vm0, $0xb8;
	[tilespmem:$0x10200] =	vst v63  }
0x11a: {  	s31 =	simm.s32 $0x9200;
	v3 =	vadd.s32 v1, v3  }
0x11b: {  	[tilespmem:s31], [sflag:$0x2] =	stream.indirect_vreg.gather [hbm4b:s6+s3], $0x80, v4, vm0, $0xb8;
	[tilespmem:$0x10200] =	vst v63  }
0x11c: {  	s25 =	simm.s32 $0x9A00  }
0x11d: {  	[tilespmem:s25], [sflag:$0x2] =	stream.indirect_vreg.gather [hbm4b:s7+s3], $0x80, v4, vm0, $0xb8;
	[tilespmem:$0x10200] =	vst v63  }
0x11e: {  	s31 =	simm.s32 $0xA200  }
0x11f: {  	[tilespmem:s31], [sflag:$0x2] =	stream.indirect_vreg.gather [hbm4b:s2+s3], $0x80, v3, vm0, $0xb8;
	[tilespmem:$0x10200] =	vst v63  }
0x120: {  	s23 =	simm.s32 $0xAA00  }
0x121: {  	[tilespmem:s23], [sflag:$0x2] =	stream.indirect_vreg.gather [hbm4b:s5+s3], $0x80, v3, vm0, $0xb8;
	[tilespmem:$0x10200] =	vst v63  }
0x122: {  	s23 =	simm.s32 $0xB200  }
0x123: {  	[tilespmem:s23], [sflag:$0x2] =	stream.indirect_vreg.gather [hbm4b:s6+s3], $0x80, v3, vm0, $0xb8;
	[tilespmem:$0x10200] =	vst v63  }
0x124: {  	s23 =	simm.s32 $0xBA00  }
0x125: {  	[tilespmem:s23], [sflag:$0x2] =	stream.indirect_vreg.gather [hbm4b:s7+s3], $0x80, v3, vm0, $0xb8;
	[tilespmem:$0x10200] =	vst v63  }
0x126: {  	v3 =	vld [tilespmem:$0xB0];
	_ =	sdelay $0x4  }
0x127: {  	v43 =	vshll.u32 v3, $0x3  }
0x128: {  	v3 =	vand.u32 $0x7, v3;
	v4 =	vand.u32 $0xFFFFFFC0, v43  }
0x129: {  	v3 =	vor.u32 v3, v4  }
0x12a: {  	v4 =	vperm.xlane v3, v0;
	_ =	sdelay $0x1  }
0x12b: {  	v4 =	vadd.s32 v1, v4;
	_ =	sdelay $0x3  }
0x12c: {  	s23 =	simm.s32 $0xC200  }
0x12d: {  	[tilespmem:s23], [sflag:$0x2] =	stream.indirect_vreg.gather [hbm4b:s2+s3], $0x80, v4, vm0, $0xb8;
	[tilespmem:$0x10200] =	vst v63  }
0x12e: {  	v3 =	vperm.xlane v3, v2;
	s23 =	simm.s32 $0xCA00  }
0x12f: {  	[tilespmem:s23], [sflag:$0x2] =	stream.indirect_vreg.gather [hbm4b:s5+s3], $0x80, v4, vm0, $0xb8;
	[tilespmem:$0x10200] =	vst v63  }
0x130: {  	s14 =	simm.s32 $0xD200;
	v3 =	vadd.s32 v1, v3  }
0x131: {  	[tilespmem:s14], [sflag:$0x2] =	stream.indirect_vreg.gather [hbm4b:s6+s3], $0x80, v4, vm0, $0xb8;
	[tilespmem:$0x10200] =	vst v63  }
0x132: {  	s29 =	simm.s32 $0xDA00  }
0x133: {  	[tilespmem:s29], [sflag:$0x2] =	stream.indirect_vreg.gather [hbm4b:s7+s3], $0x80, v4, vm0, $0xb8;
	[tilespmem:$0x10200] =	vst v63  }
0x134: {  	s30 =	simm.s32 $0xE200  }
0x135: {  	[tilespmem:s30], [sflag:$0x2] =	stream.indirect_vreg.gather [hbm4b:s2+s3], $0x80, v3, vm0, $0xb8;
	[tilespmem:$0x10200] =	vst v63  }
0x136: {  	s12 =	simm.s32 $0xEA00  }
0x137: {  	[tilespmem:s12], [sflag:$0x2] =	stream.indirect_vreg.gather [hbm4b:s5+s3], $0x80, v3, vm0, $0xb8;
	[tilespmem:$0x10200] =	vst v63  }
0x138: {  	s13 =	simm.s32 $0xF200  }
0x139: {  	[tilespmem:s13], [sflag:$0x2] =	stream.indirect_vreg.gather [hbm4b:s6+s3], $0x80, v3, vm0, $0xb8;
	[tilespmem:$0x10200] =	vst v63  }
0x13a: {  	s11 =	simm.s32 $0xFA00  }
0x13b: {  	[tilespmem:s11], [sflag:$0x2] =	stream.indirect_vreg.gather [hbm4b:s7+s3], $0x80, v3, vm0, $0xb8;
	[tilespmem:$0x10200] =	vst v63  }
0x13c: {  	_ =	swait.ge [sflag:s19], $0x8000  }
0x13d: {  	[sflag:s19] =	ssyncset.done $0x0  }
0x13e: {  	s23 =	rddreg [dreg:$0x8];
	[sflag:s19] =	ssyncadd.s32 $0xFFFF8000  }
0x13f: {  	[hbm4b:s23+s20] =	stream.strided.scatter [tilespmem:s10], [sflag:$0x3], $0x8000, s21, s20, $0x38;
	[tilespmem:$0x10200] =	vst v63  }
0x140: {  	_ =	swait.ge [sflag:s9], $0x8000  }
0x141: {  	[sflag:s9] =	ssyncset.done $0x0  }
0x142: {  	[sflag:s9] =	ssyncadd.s32 $0xFFFF8000  }
0x143: {  	v3 =	vld [tilespmem:$0xC0];
	_ =	sdelay $0x4  }
0x144: {  	v44 =	vshll.u32 v3, $0x3  }
0x145: {  	v3 =	vand.u32 $0x7, v3;
	v4 =	vand.u32 $0xFFFFFFC0, v44  }
0x146: {  	v3 =	vor.u32 v3, v4  }
0x147: {  	v4 =	vperm.xlane v3, v0;
	_ =	sdelay $0x1  }
0x148: {  	v4 =	vadd.s32 v1, v4;
	_ =	sdelay $0x4  }
0x149: {  	[tilespmem:s10], [sflag:$0x1] =	stream.indirect_vreg.gather [hbm4b:s2+s3], $0x80, v4, vm0, $0xb8;
	[tilespmem:$0x10200] =	vst v63  }
0x14a: {  	s23 =	simm.s32 $0xA00;
	v3 =	vperm.xlane v3, v2  }
0x14b: {  	[tilespmem:s23], [sflag:$0x1] =	stream.indirect_vreg.gather [hbm4b:s5+s3], $0x80, v4, vm0, $0xb8;
	[tilespmem:$0x10200] =	vst v63  }
0x14c: {  	v3 =	vadd.s32 v1, v3;
	s23 =	simm.s32 $0x1200  }
0x14d: {  	[tilespmem:s23], [sflag:$0x1] =	stream.indirect_vreg.gather [hbm4b:s6+s3], $0x80, v4, vm0, $0xb8;
	[tilespmem:$0x10200] =	vst v63  }
0x14e: {  	s23 =	simm.s32 $0x1A00  }
0x14f: {  	[tilespmem:s23], [sflag:$0x1] =	stream.indirect_vreg.gather [hbm4b:s7+s3], $0x80, v4, vm0, $0xb8;
	[tilespmem:$0x10200] =	vst v63  }
0x150: {  	s23 =	simm.s32 $0x2200  }
0x151: {  	[tilespmem:s23], [sflag:$0x1] =	stream.indirect_vreg.gather [hbm4b:s2+s3], $0x80, v3, vm0, $0xb8;
	[tilespmem:$0x10200] =	vst v63  }
0x152: {  	s23 =	simm.s32 $0x2A00  }
0x153: {  	[tilespmem:s23], [sflag:$0x1] =	stream.indirect_vreg.gather [hbm4b:s5+s3], $0x80, v3, vm0, $0xb8;
	[tilespmem:$0x10200] =	vst v63  }
0x154: {  	s23 =	simm.s32 $0x3200  }
0x155: {  	[tilespmem:s23], [sflag:$0x1] =	stream.indirect_vreg.gather [hbm4b:s6+s3], $0x80, v3, vm0, $0xb8;
	[tilespmem:$0x10200] =	vst v63  }
0x156: {  	s23 =	simm.s32 $0x3A00  }
0x157: {  	[tilespmem:s23], [sflag:$0x1] =	stream.indirect_vreg.gather [hbm4b:s7+s3], $0x80, v3, vm0, $0xb8;
	[tilespmem:$0x10200] =	vst v63  }
0x158: {  	v3 =	vld [tilespmem:$0xD0];
	_ =	sdelay $0x4  }
0x159: {  	v45 =	vshll.u32 v3, $0x3  }
0x15a: {  	v3 =	vand.u32 $0x7, v3;
	v4 =	vand.u32 $0xFFFFFFC0, v45  }
0x15b: {  	v3 =	vor.u32 v3, v4  }
0x15c: {  	v4 =	vperm.xlane v3, v0;
	_ =	sdelay $0x1  }
0x15d: {  	v4 =	vadd.s32 v1, v4;
	_ =	sdelay $0x3  }
0x15e: {  	s4 =	simm.s32 $0x4200  }
0x15f: {  	[tilespmem:s4], [sflag:$0x1] =	stream.indirect_vreg.gather [hbm4b:s2+s3], $0x80, v4, vm0, $0xb8;
	[tilespmem:$0x10200] =	vst v63  }
0x160: {  	s24 =	simm.s32 $0x4A00;
	v3 =	vperm.xlane v3, v2  }
0x161: {  	[tilespmem:s24], [sflag:$0x1] =	stream.indirect_vreg.gather [hbm4b:s5+s3], $0x80, v4, vm0, $0xb8;
	[tilespmem:$0x10200] =	vst v63  }
0x162: {  	s1 =	simm.s32 $0x5200;
	v3 =	vadd.s32 v1, v3  }
0x163: {  	[tilespmem:s1], [sflag:$0x1] =	stream.indirect_vreg.gather [hbm4b:s6+s3], $0x80, v4, vm0, $0xb8;
	[tilespmem:$0x10200] =	vst v63  }
0x164: {  	s8 =	simm.s32 $0x5A00  }
0x165: {  	[tilespmem:s8], [sflag:$0x1] =	stream.indirect_vreg.gather [hbm4b:s7+s3], $0x80, v4, vm0, $0xb8;
	[tilespmem:$0x10200] =	vst v63  }
0x166: {  	s15 =	simm.s32 $0x6200  }
0x167: {  	[tilespmem:s15], [sflag:$0x1] =	stream.indirect_vreg.gather [hbm4b:s2+s3], $0x80, v3, vm0, $0xb8;
	[tilespmem:$0x10200] =	vst v63  }
0x168: {  	s16 =	simm.s32 $0x6A00  }
0x169: {  	[tilespmem:s16], [sflag:$0x1] =	stream.indirect_vreg.gather [hbm4b:s5+s3], $0x80, v3, vm0, $0xb8;
	[tilespmem:$0x10200] =	vst v63  }
0x16a: {  	s17 =	simm.s32 $0x7200  }
0x16b: {  	[tilespmem:s17], [sflag:$0x1] =	stream.indirect_vreg.gather [hbm4b:s6+s3], $0x80, v3, vm0, $0xb8;
	[tilespmem:$0x10200] =	vst v63  }
0x16c: {  	s18 =	simm.s32 $0x7A00  }
0x16d: {  	[tilespmem:s18], [sflag:$0x1] =	stream.indirect_vreg.gather [hbm4b:s7+s3], $0x80, v3, vm0, $0xb8;
	[tilespmem:$0x10200] =	vst v63  }
0x16e: {  	_ =	swait.ge [sflag:s22], $0x8000  }
0x16f: {  	[sflag:s22] =	ssyncset.done $0x0  }
0x170: {  	s23 =	rddreg [dreg:$0x9];
	[sflag:s22] =	ssyncadd.s32 $0xFFFF8000  }
0x171: {  	[hbm4b:s23+s20] =	stream.strided.scatter [tilespmem:s26], [sflag:$0x3], $0x8000, s21, s20, $0x38;
	[tilespmem:$0x10200] =	vst v63  }
0x172: {  	_ =	swait.ge [sflag:s9], $0x8000  }
0x173: {  	[sflag:s9] =	ssyncset.done $0x0  }
0x174: {  	[sflag:s9] =	ssyncadd.s32 $0xFFFF8000  }
0x175: {  	v3 =	vld [tilespmem:$0xE0];
	_ =	sdelay $0x4  }
0x176: {  	v46 =	vshll.u32 v3, $0x3  }
0x177: {  	v3 =	vand.u32 $0x7, v3;
	v4 =	vand.u32 $0xFFFFFFC0, v46  }
0x178: {  	v3 =	vor.u32 v3, v4  }
0x179: {  	v4 =	vperm.xlane v3, v0;
	_ =	sdelay $0x1  }
0x17a: {  	v4 =	vadd.s32 v1, v4;
	_ =	sdelay $0x4  }
0x17b: {  	[tilespmem:s26], [sflag:$0x2] =	stream.indirect_vreg.gather [hbm4b:s2+s3], $0x80, v4, vm0, $0xb8;
	[tilespmem:$0x10200] =	vst v63  }
0x17c: {  	s0 =	simm.s32 $0x8A00;
	v3 =	vperm.xlane v3, v2  }
0x17d: {  	[tilespmem:s0], [sflag:$0x2] =	stream.indirect_vreg.gather [hbm4b:s5+s3], $0x80, v4, vm0, $0xb8;
	[tilespmem:$0x10200] =	vst v63  }
0x17e: {  	s23 =	simm.s32 $0x9200;
	v3 =	vadd.s32 v1, v3  }
0x17f: {  	[tilespmem:s23], [sflag:$0x2] =	stream.indirect_vreg.gather [hbm4b:s6+s3], $0x80, v4, vm0, $0xb8;
	[tilespmem:$0x10200] =	vst v63  }
0x180: {  	s25 =	simm.s32 $0x9A00  }
0x181: {  	[tilespmem:s25], [sflag:$0x2] =	stream.indirect_vreg.gather [hbm4b:s7+s3], $0x80, v4, vm0, $0xb8;
	[tilespmem:$0x10200] =	vst v63  }
0x182: {  	s31 =	simm.s32 $0xA200  }
0x183: {  	[tilespmem:s31], [sflag:$0x2] =	stream.indirect_vreg.gather [hbm4b:s2+s3], $0x80, v3, vm0, $0xb8;
	[tilespmem:$0x10200] =	vst v63  }
0x184: {  	s23 =	simm.s32 $0xAA00  }
0x185: {  	[tilespmem:s23], [sflag:$0x2] =	stream.indirect_vreg.gather [hbm4b:s5+s3], $0x80, v3, vm0, $0xb8;
	[tilespmem:$0x10200] =	vst v63  }
0x186: {  	s23 =	simm.s32 $0xB200  }
0x187: {  	[tilespmem:s23], [sflag:$0x2] =	stream.indirect_vreg.gather [hbm4b:s6+s3], $0x80, v3, vm0, $0xb8;
	[tilespmem:$0x10200] =	vst v63  }
0x188: {  	s23 =	simm.s32 $0xBA00  }
0x189: {  	[tilespmem:s23], [sflag:$0x2] =	stream.indirect_vreg.gather [hbm4b:s7+s3], $0x80, v3, vm0, $0xb8;
	[tilespmem:$0x10200] =	vst v63  }
0x18a: {  	v3 =	vld [tilespmem:$0xF0];
	_ =	sdelay $0x4  }
0x18b: {  	v47 =	vshll.u32 v3, $0x3  }
0x18c: {  	v3 =	vand.u32 $0x7, v3;
	v4 =	vand.u32 $0xFFFFFFC0, v47  }
0x18d: {  	v3 =	vor.u32 v3, v4  }
0x18e: {  	v4 =	vperm.xlane v3, v0;
	_ =	sdelay $0x1  }
0x18f: {  	v4 =	vadd.s32 v1, v4;
	_ =	sdelay $0x3  }
0x190: {  	s23 =	simm.s32 $0xC200  }
0x191: {  	[tilespmem:s23], [sflag:$0x2] =	stream.indirect_vreg.gather [hbm4b:s2+s3], $0x80, v4, vm0, $0xb8;
	[tilespmem:$0x10200] =	vst v63  }
0x192: {  	v3 =	vperm.xlane v3, v2;
	s23 =	simm.s32 $0xCA00  }
0x193: {  	[tilespmem:s23], [sflag:$0x2] =	stream.indirect_vreg.gather [hbm4b:s5+s3], $0x80, v4, vm0, $0xb8;
	[tilespmem:$0x10200] =	vst v63  }
0x194: {  	s14 =	simm.s32 $0xD200;
	v3 =	vadd.s32 v1, v3  }
0x195: {  	[tilespmem:s14], [sflag:$0x2] =	stream.indirect_vreg.gather [hbm4b:s6+s3], $0x80, v4, vm0, $0xb8;
	[tilespmem:$0x10200] =	vst v63  }
0x196: {  	s29 =	simm.s32 $0xDA00  }
0x197: {  	[tilespmem:s29], [sflag:$0x2] =	stream.indirect_vreg.gather [hbm4b:s7+s3], $0x80, v4, vm0, $0xb8;
	[tilespmem:$0x10200] =	vst v63  }
0x198: {  	s30 =	simm.s32 $0xE200  }
0x199: {  	[tilespmem:s30], [sflag:$0x2] =	stream.indirect_vreg.gather [hbm4b:s2+s3], $0x80, v3, vm0, $0xb8;
	[tilespmem:$0x10200] =	vst v63  }
0x19a: {  	s12 =	simm.s32 $0xEA00  }
0x19b: {  	[tilespmem:s12], [sflag:$0x2] =	stream.indirect_vreg.gather [hbm4b:s5+s3], $0x80, v3, vm0, $0xb8;
	[tilespmem:$0x10200] =	vst v63  }
0x19c: {  	s13 =	simm.s32 $0xF200  }
0x19d: {  	[tilespmem:s13], [sflag:$0x2] =	stream.indirect_vreg.gather [hbm4b:s6+s3], $0x80, v3, vm0, $0xb8;
	[tilespmem:$0x10200] =	vst v63  }
0x19e: {  	s11 =	simm.s32 $0xFA00  }
0x19f: {  	[tilespmem:s11], [sflag:$0x2] =	stream.indirect_vreg.gather [hbm4b:s7+s3], $0x80, v3, vm0, $0xb8;
	[tilespmem:$0x10200] =	vst v63  }
0x1a0: {  	_ =	swait.ge [sflag:s19], $0x8000  }
0x1a1: {  	[sflag:s19] =	ssyncset.done $0x0  }
0x1a2: {  	s23 =	rddreg [dreg:$0xa];
	[sflag:s19] =	ssyncadd.s32 $0xFFFF8000  }
0x1a3: {  	[hbm4b:s23+s20] =	stream.strided.scatter [tilespmem:s10], [sflag:$0x3], $0x8000, s21, s20, $0x38;
	[tilespmem:$0x10200] =	vst v63  }
0x1a4: {  	_ =	swait.ge [sflag:s9], $0x8000  }
0x1a5: {  	[sflag:s9] =	ssyncset.done $0x0  }
0x1a6: {  	[sflag:s9] =	ssyncadd.s32 $0xFFFF8000  }
0x1a7: {  	v3 =	vld [tilespmem:$0x100];
	_ =	sdelay $0x4  }
0x1a8: {  	v48 =	vshll.u32 v3, $0x3  }
0x1a9: {  	v3 =	vand.u32 $0x7, v3;
	v4 =	vand.u32 $0xFFFFFFC0, v48  }
0x1aa: {  	v3 =	vor.u32 v3, v4  }
0x1ab: {  	v4 =	vperm.xlane v3, v0;
	_ =	sdelay $0x1  }
0x1ac: {  	v4 =	vadd.s32 v1, v4;
	_ =	sdelay $0x4  }
0x1ad: {  	[tilespmem:s10], [sflag:$0x1] =	stream.indirect_vreg.gather [hbm4b:s2+s3], $0x80, v4, vm0, $0xb8;
	[tilespmem:$0x10200] =	vst v63  }
0x1ae: {  	s23 =	simm.s32 $0xA00;
	v3 =	vperm.xlane v3, v2  }
0x1af: {  	[tilespmem:s23], [sflag:$0x1] =	stream.indirect_vreg.gather [hbm4b:s5+s3], $0x80, v4, vm0, $0xb8;
	[tilespmem:$0x10200] =	vst v63  }
0x1b0: {  	v3 =	vadd.s32 v1, v3;
	s23 =	simm.s32 $0x1200  }
0x1b1: {  	[tilespmem:s23], [sflag:$0x1] =	stream.indirect_vreg.gather [hbm4b:s6+s3], $0x80, v4, vm0, $0xb8;
	[tilespmem:$0x10200] =	vst v63  }
0x1b2: {  	s23 =	simm.s32 $0x1A00  }
0x1b3: {  	[tilespmem:s23], [sflag:$0x1] =	stream.indirect_vreg.gather [hbm4b:s7+s3], $0x80, v4, vm0, $0xb8;
	[tilespmem:$0x10200] =	vst v63  }
0x1b4: {  	s23 =	simm.s32 $0x2200  }
0x1b5: {  	[tilespmem:s23], [sflag:$0x1] =	stream.indirect_vreg.gather [hbm4b:s2+s3], $0x80, v3, vm0, $0xb8;
	[tilespmem:$0x10200] =	vst v63  }
0x1b6: {  	s23 =	simm.s32 $0x2A00  }
0x1b7: {  	[tilespmem:s23], [sflag:$0x1] =	stream.indirect_vreg.gather [hbm4b:s5+s3], $0x80, v3, vm0, $0xb8;
	[tilespmem:$0x10200] =	vst v63  }
0x1b8: {  	s23 =	simm.s32 $0x3200  }
0x1b9: {  	[tilespmem:s23], [sflag:$0x1] =	stream.indirect_vreg.gather [hbm4b:s6+s3], $0x80, v3, vm0, $0xb8;
	[tilespmem:$0x10200] =	vst v63  }
0x1ba: {  	s23 =	simm.s32 $0x3A00  }
0x1bb: {  	[tilespmem:s23], [sflag:$0x1] =	stream.indirect_vreg.gather [hbm4b:s7+s3], $0x80, v3, vm0, $0xb8;
	[tilespmem:$0x10200] =	vst v63  }
0x1bc: {  	v3 =	vld [tilespmem:$0x110];
	_ =	sdelay $0x4  }
0x1bd: {  	v49 =	vshll.u32 v3, $0x3  }
0x1be: {  	v3 =	vand.u32 $0x7, v3;
	v4 =	vand.u32 $0xFFFFFFC0, v49  }
0x1bf: {  	v3 =	vor.u32 v3, v4  }
0x1c0: {  	v4 =	vperm.xlane v3, v0;
	_ =	sdelay $0x1  }
0x1c1: {  	v4 =	vadd.s32 v1, v4;
	_ =	sdelay $0x3  }
0x1c2: {  	s4 =	simm.s32 $0x4200  }
0x1c3: {  	[tilespmem:s4], [sflag:$0x1] =	stream.indirect_vreg.gather [hbm4b:s2+s3], $0x80, v4, vm0, $0xb8;
	[tilespmem:$0x10200] =	vst v63  }
0x1c4: {  	s24 =	simm.s32 $0x4A00;
	v3 =	vperm.xlane v3, v2  }
0x1c5: {  	[tilespmem:s24], [sflag:$0x1] =	stream.indirect_vreg.gather [hbm4b:s5+s3], $0x80, v4, vm0, $0xb8;
	[tilespmem:$0x10200] =	vst v63  }
0x1c6: {  	s1 =	simm.s32 $0x5200;
	v3 =	vadd.s32 v1, v3  }
0x1c7: {  	[tilespmem:s1], [sflag:$0x1] =	stream.indirect_vreg.gather [hbm4b:s6+s3], $0x80, v4, vm0, $0xb8;
	[tilespmem:$0x10200] =	vst v63  }
0x1c8: {  	s8 =	simm.s32 $0x5A00  }
0x1c9: {  	[tilespmem:s8], [sflag:$0x1] =	stream.indirect_vreg.gather [hbm4b:s7+s3], $0x80, v4, vm0, $0xb8;
	[tilespmem:$0x10200] =	vst v63  }
0x1ca: {  	s15 =	simm.s32 $0x6200  }
0x1cb: {  	[tilespmem:s15], [sflag:$0x1] =	stream.indirect_vreg.gather [hbm4b:s2+s3], $0x80, v3, vm0, $0xb8;
	[tilespmem:$0x10200] =	vst v63  }
0x1cc: {  	s16 =	simm.s32 $0x6A00  }
0x1cd: {  	[tilespmem:s16], [sflag:$0x1] =	stream.indirect_vreg.gather [hbm4b:s5+s3], $0x80, v3, vm0, $0xb8;
	[tilespmem:$0x10200] =	vst v63  }
0x1ce: {  	s17 =	simm.s32 $0x7200  }
0x1cf: {  	[tilespmem:s17], [sflag:$0x1] =	stream.indirect_vreg.gather [hbm4b:s6+s3], $0x80, v3, vm0, $0xb8;
	[tilespmem:$0x10200] =	vst v63  }
0x1d0: {  	s18 =	simm.s32 $0x7A00  }
0x1d1: {  	[tilespmem:s18], [sflag:$0x1] =	stream.indirect_vreg.gather [hbm4b:s7+s3], $0x80, v3, vm0, $0xb8;
	[tilespmem:$0x10200] =	vst v63  }
0x1d2: {  	_ =	swait.ge [sflag:s22], $0x8000  }
0x1d3: {  	[sflag:s22] =	ssyncset.done $0x0  }
0x1d4: {  	s23 =	rddreg [dreg:$0xb];
	[sflag:s22] =	ssyncadd.s32 $0xFFFF8000  }
0x1d5: {  	[hbm4b:s23+s20] =	stream.strided.scatter [tilespmem:s26], [sflag:$0x3], $0x8000, s21, s20, $0x38;
	[tilespmem:$0x10200] =	vst v63  }
0x1d6: {  	_ =	swait.ge [sflag:s9], $0x8000  }
0x1d7: {  	[sflag:s9] =	ssyncset.done $0x0  }
0x1d8: {  	[sflag:s9] =	ssyncadd.s32 $0xFFFF8000  }
0x1d9: {  	v3 =	vld [tilespmem:$0x120];
	_ =	sdelay $0x4  }
0x1da: {  	v50 =	vshll.u32 v3, $0x3  }
0x1db: {  	v3 =	vand.u32 $0x7, v3;
	v4 =	vand.u32 $0xFFFFFFC0, v50  }
0x1dc: {  	v3 =	vor.u32 v3, v4  }
0x1dd: {  	v4 =	vperm.xlane v3, v0;
	_ =	sdelay $0x1  }
0x1de: {  	v4 =	vadd.s32 v1, v4;
	_ =	sdelay $0x4  }
0x1df: {  	[tilespmem:s26], [sflag:$0x2] =	stream.indirect_vreg.gather [hbm4b:s2+s3], $0x80, v4, vm0, $0xb8;
	[tilespmem:$0x10200] =	vst v63  }
0x1e0: {  	s0 =	simm.s32 $0x8A00;
	v3 =	vperm.xlane v3, v2  }
0x1e1: {  	[tilespmem:s0], [sflag:$0x2] =	stream.indirect_vreg.gather [hbm4b:s5+s3], $0x80, v4, vm0, $0xb8;
	[tilespmem:$0x10200] =	vst v63  }
0x1e2: {  	s23 =	simm.s32 $0x9200;
	v3 =	vadd.s32 v1, v3  }
0x1e3: {  	[tilespmem:s23], [sflag:$0x2] =	stream.indirect_vreg.gather [hbm4b:s6+s3], $0x80, v4, vm0, $0xb8;
	[tilespmem:$0x10200] =	vst v63  }
0x1e4: {  	s25 =	simm.s32 $0x9A00  }
0x1e5: {  	[tilespmem:s25], [sflag:$0x2] =	stream.indirect_vreg.gather [hbm4b:s7+s3], $0x80, v4, vm0, $0xb8;
	[tilespmem:$0x10200] =	vst v63  }
0x1e6: {  	s31 =	simm.s32 $0xA200  }
0x1e7: {  	[tilespmem:s31], [sflag:$0x2] =	stream.indirect_vreg.gather [hbm4b:s2+s3], $0x80, v3, vm0, $0xb8;
	[tilespmem:$0x10200] =	vst v63  }
0x1e8: {  	s23 =	simm.s32 $0xAA00  }
0x1e9: {  	[tilespmem:s23], [sflag:$0x2] =	stream.indirect_vreg.gather [hbm4b:s5+s3], $0x80, v3, vm0, $0xb8;
	[tilespmem:$0x10200] =	vst v63  }
0x1ea: {  	s23 =	simm.s32 $0xB200  }
0x1eb: {  	[tilespmem:s23], [sflag:$0x2] =	stream.indirect_vreg.gather [hbm4b:s6+s3], $0x80, v3, vm0, $0xb8;
	[tilespmem:$0x10200] =	vst v63  }
0x1ec: {  	s23 =	simm.s32 $0xBA00  }
0x1ed: {  	[tilespmem:s23], [sflag:$0x2] =	stream.indirect_vreg.gather [hbm4b:s7+s3], $0x80, v3, vm0, $0xb8;
	[tilespmem:$0x10200] =	vst v63  }
0x1ee: {  	v3 =	vld [tilespmem:$0x130];
	_ =	sdelay $0x4  }
0x1ef: {  	v51 =	vshll.u32 v3, $0x3  }
0x1f0: {  	v3 =	vand.u32 $0x7, v3;
	v4 =	vand.u32 $0xFFFFFFC0, v51  }
0x1f1: {  	v3 =	vor.u32 v3, v4  }
0x1f2: {  	v4 =	vperm.xlane v3, v0;
	_ =	sdelay $0x1  }
0x1f3: {  	v4 =	vadd.s32 v1, v4;
	_ =	sdelay $0x3  }
0x1f4: {  	s23 =	simm.s32 $0xC200  }
0x1f5: {  	[tilespmem:s23], [sflag:$0x2] =	stream.indirect_vreg.gather [hbm4b:s2+s3], $0x80, v4, vm0, $0xb8;
	[tilespmem:$0x10200] =	vst v63  }
0x1f6: {  	v3 =	vperm.xlane v3, v2;
	s23 =	simm.s32 $0xCA00  }
0x1f7: {  	[tilespmem:s23], [sflag:$0x2] =	stream.indirect_vreg.gather [hbm4b:s5+s3], $0x80, v4, vm0, $0xb8;
	[tilespmem:$0x10200] =	vst v63  }
0x1f8: {  	s14 =	simm.s32 $0xD200;
	v3 =	vadd.s32 v1, v3  }
0x1f9: {  	[tilespmem:s14], [sflag:$0x2] =	stream.indirect_vreg.gather [hbm4b:s6+s3], $0x80, v4, vm0, $0xb8;
	[tilespmem:$0x10200] =	vst v63  }
0x1fa: {  	s29 =	simm.s32 $0xDA00  }
0x1fb: {  	[tilespmem:s29], [sflag:$0x2] =	stream.indirect_vreg.gather [hbm4b:s7+s3], $0x80, v4, vm0, $0xb8;
	[tilespmem:$0x10200] =	vst v63  }
0x1fc: {  	s30 =	simm.s32 $0xE200  }
0x1fd: {  	[tilespmem:s30], [sflag:$0x2] =	stream.indirect_vreg.gather [hbm4b:s2+s3], $0x80, v3, vm0, $0xb8;
	[tilespmem:$0x10200] =	vst v63  }
0x1fe: {  	s12 =	simm.s32 $0xEA00  }
0x1ff: {  	[tilespmem:s12], [sflag:$0x2] =	stream.indirect_vreg.gather [hbm4b:s5+s3], $0x80, v3, vm0, $0xb8;
	[tilespmem:$0x10200] =	vst v63  }
0x200: {  	s13 =	simm.s32 $0xF200  }
0x201: {  	[tilespmem:s13], [sflag:$0x2] =	stream.indirect_vreg.gather [hbm4b:s6+s3], $0x80, v3, vm0, $0xb8;
	[tilespmem:$0x10200] =	vst v63  }
0x202: {  	s11 =	simm.s32 $0xFA00  }
0x203: {  	[tilespmem:s11], [sflag:$0x2] =	stream.indirect_vreg.gather [hbm4b:s7+s3], $0x80, v3, vm0, $0xb8;
	[tilespmem:$0x10200] =	vst v63  }
0x204: {  	_ =	swait.ge [sflag:s19], $0x8000  }
0x205: {  	[sflag:s19] =	ssyncset.done $0x0  }
0x206: {  	s23 =	rddreg [dreg:$0xc];
	[sflag:s19] =	ssyncadd.s32 $0xFFFF8000  }
0x207: {  	[hbm4b:s23+s20] =	stream.strided.scatter [tilespmem:s10], [sflag:$0x3], $0x8000, s21, s20, $0x38;
	[tilespmem:$0x10200] =	vst v63  }
0x208: {  	_ =	swait.ge [sflag:s9], $0x8000  }
0x209: {  	[sflag:s9] =	ssyncset.done $0x0  }
0x20a: {  	[sflag:s9] =	ssyncadd.s32 $0xFFFF8000  }
0x20b: {  	v3 =	vld [tilespmem:$0x140];
	_ =	sdelay $0x4  }
0x20c: {  	v52 =	vshll.u32 v3, $0x3  }
0x20d: {  	v3 =	vand.u32 $0x7, v3;
	v4 =	vand.u32 $0xFFFFFFC0, v52  }
0x20e: {  	v3 =	vor.u32 v3, v4  }
0x20f: {  	v4 =	vperm.xlane v3, v0;
	_ =	sdelay $0x1  }
0x210: {  	v4 =	vadd.s32 v1, v4;
	_ =	sdelay $0x4  }
0x211: {  	[tilespmem:s10], [sflag:$0x1] =	stream.indirect_vreg.gather [hbm4b:s2+s3], $0x80, v4, vm0, $0xb8;
	[tilespmem:$0x10200] =	vst v63  }
0x212: {  	s23 =	simm.s32 $0xA00;
	v3 =	vperm.xlane v3, v2  }
0x213: {  	[tilespmem:s23], [sflag:$0x1] =	stream.indirect_vreg.gather [hbm4b:s5+s3], $0x80, v4, vm0, $0xb8;
	[tilespmem:$0x10200] =	vst v63  }
0x214: {  	v3 =	vadd.s32 v1, v3;
	s23 =	simm.s32 $0x1200  }
0x215: {  	[tilespmem:s23], [sflag:$0x1] =	stream.indirect_vreg.gather [hbm4b:s6+s3], $0x80, v4, vm0, $0xb8;
	[tilespmem:$0x10200] =	vst v63  }
0x216: {  	s23 =	simm.s32 $0x1A00  }
0x217: {  	[tilespmem:s23], [sflag:$0x1] =	stream.indirect_vreg.gather [hbm4b:s7+s3], $0x80, v4, vm0, $0xb8;
	[tilespmem:$0x10200] =	vst v63  }
0x218: {  	s23 =	simm.s32 $0x2200  }
0x219: {  	[tilespmem:s23], [sflag:$0x1] =	stream.indirect_vreg.gather [hbm4b:s2+s3], $0x80, v3, vm0, $0xb8;
	[tilespmem:$0x10200] =	vst v63  }
0x21a: {  	s23 =	simm.s32 $0x2A00  }
0x21b: {  	[tilespmem:s23], [sflag:$0x1] =	stream.indirect_vreg.gather [hbm4b:s5+s3], $0x80, v3, vm0, $0xb8;
	[tilespmem:$0x10200] =	vst v63  }
0x21c: {  	s23 =	simm.s32 $0x3200  }
0x21d: {  	[tilespmem:s23], [sflag:$0x1] =	stream.indirect_vreg.gather [hbm4b:s6+s3], $0x80, v3, vm0, $0xb8;
	[tilespmem:$0x10200] =	vst v63  }
0x21e: {  	s23 =	simm.s32 $0x3A00  }
0x21f: {  	[tilespmem:s23], [sflag:$0x1] =	stream.indirect_vreg.gather [hbm4b:s7+s3], $0x80, v3, vm0, $0xb8;
	[tilespmem:$0x10200] =	vst v63  }
0x220: {  	v3 =	vld [tilespmem:$0x150];
	_ =	sdelay $0x4  }
0x221: {  	v53 =	vshll.u32 v3, $0x3  }
0x222: {  	v3 =	vand.u32 $0x7, v3;
	v4 =	vand.u32 $0xFFFFFFC0, v53  }
0x223: {  	v3 =	vor.u32 v3, v4  }
0x224: {  	v4 =	vperm.xlane v3, v0;
	_ =	sdelay $0x1  }
0x225: {  	v4 =	vadd.s32 v1, v4;
	_ =	sdelay $0x3  }
0x226: {  	s4 =	simm.s32 $0x4200  }
0x227: {  	[tilespmem:s4], [sflag:$0x1] =	stream.indirect_vreg.gather [hbm4b:s2+s3], $0x80, v4, vm0, $0xb8;
	[tilespmem:$0x10200] =	vst v63  }
0x228: {  	s24 =	simm.s32 $0x4A00;
	v3 =	vperm.xlane v3, v2  }
0x229: {  	[tilespmem:s24], [sflag:$0x1] =	stream.indirect_vreg.gather [hbm4b:s5+s3], $0x80, v4, vm0, $0xb8;
	[tilespmem:$0x10200] =	vst v63  }
0x22a: {  	s1 =	simm.s32 $0x5200;
	v3 =	vadd.s32 v1, v3  }
0x22b: {  	[tilespmem:s1], [sflag:$0x1] =	stream.indirect_vreg.gather [hbm4b:s6+s3], $0x80, v4, vm0, $0xb8;
	[tilespmem:$0x10200] =	vst v63  }
0x22c: {  	s8 =	simm.s32 $0x5A00  }
0x22d: {  	[tilespmem:s8], [sflag:$0x1] =	stream.indirect_vreg.gather [hbm4b:s7+s3], $0x80, v4, vm0, $0xb8;
	[tilespmem:$0x10200] =	vst v63  }
0x22e: {  	s15 =	simm.s32 $0x6200  }
0x22f: {  	[tilespmem:s15], [sflag:$0x1] =	stream.indirect_vreg.gather [hbm4b:s2+s3], $0x80, v3, vm0, $0xb8;
	[tilespmem:$0x10200] =	vst v63  }
0x230: {  	s16 =	simm.s32 $0x6A00  }
0x231: {  	[tilespmem:s16], [sflag:$0x1] =	stream.indirect_vreg.gather [hbm4b:s5+s3], $0x80, v3, vm0, $0xb8;
	[tilespmem:$0x10200] =	vst v63  }
0x232: {  	s17 =	simm.s32 $0x7200  }
0x233: {  	[tilespmem:s17], [sflag:$0x1] =	stream.indirect_vreg.gather [hbm4b:s6+s3], $0x80, v3, vm0, $0xb8;
	[tilespmem:$0x10200] =	vst v63  }
0x234: {  	s18 =	simm.s32 $0x7A00  }
0x235: {  	[tilespmem:s18], [sflag:$0x1] =	stream.indirect_vreg.gather [hbm4b:s7+s3], $0x80, v3, vm0, $0xb8;
	[tilespmem:$0x10200] =	vst v63  }
0x236: {  	_ =	swait.ge [sflag:s22], $0x8000  }
0x237: {  	[sflag:s22] =	ssyncset.done $0x0  }
0x238: {  	s1 =	rddreg [dreg:$0xd];
	[sflag:s22] =	ssyncadd.s32 $0xFFFF8000  }
0x239: {  	[hbm4b:s1+s20] =	stream.strided.scatter [tilespmem:s26], [sflag:$0x3], $0x8000, s21, s20, $0x38;
	[tilespmem:$0x10200] =	vst v63  }
0x23a: {  	_ =	swait.ge [sflag:s9], $0x8000  }
0x23b: {  	[sflag:s9] =	ssyncset.done $0x0  }
0x23c: {  	[sflag:s9] =	ssyncadd.s32 $0xFFFF8000  }
0x23d: {  	v3 =	vld [tilespmem:$0x160];
	_ =	sdelay $0x4  }
0x23e: {  	v54 =	vshll.u32 v3, $0x3  }
0x23f: {  	v3 =	vand.u32 $0x7, v3;
	v4 =	vand.u32 $0xFFFFFFC0, v54  }
0x240: {  	v3 =	vor.u32 v3, v4  }
0x241: {  	v4 =	vperm.xlane v3, v0;
	_ =	sdelay $0x1  }
0x242: {  	v4 =	vadd.s32 v1, v4;
	_ =	sdelay $0x4  }
0x243: {  	[tilespmem:s26], [sflag:$0x2] =	stream.indirect_vreg.gather [hbm4b:s2+s3], $0x80, v4, vm0, $0xb8;
	[tilespmem:$0x10200] =	vst v63  }
0x244: {  	s0 =	simm.s32 $0x8A00;
	v3 =	vperm.xlane v3, v2  }
0x245: {  	[tilespmem:s0], [sflag:$0x2] =	stream.indirect_vreg.gather [hbm4b:s5+s3], $0x80, v4, vm0, $0xb8;
	[tilespmem:$0x10200] =	vst v63  }
0x246: {  	s23 =	simm.s32 $0x9200;
	v3 =	vadd.s32 v1, v3  }
0x247: {  	[tilespmem:s23], [sflag:$0x2] =	stream.indirect_vreg.gather [hbm4b:s6+s3], $0x80, v4, vm0, $0xb8;
	[tilespmem:$0x10200] =	vst v63  }
0x248: {  	s25 =	simm.s32 $0x9A00  }
0x249: {  	[tilespmem:s25], [sflag:$0x2] =	stream.indirect_vreg.gather [hbm4b:s7+s3], $0x80, v4, vm0, $0xb8;
	[tilespmem:$0x10200] =	vst v63  }
0x24a: {  	s31 =	simm.s32 $0xA200  }
0x24b: {  	[tilespmem:s31], [sflag:$0x2] =	stream.indirect_vreg.gather [hbm4b:s2+s3], $0x80, v3, vm0, $0xb8;
	[tilespmem:$0x10200] =	vst v63  }
0x24c: {  	s23 =	simm.s32 $0xAA00  }
0x24d: {  	[tilespmem:s23], [sflag:$0x2] =	stream.indirect_vreg.gather [hbm4b:s5+s3], $0x80, v3, vm0, $0xb8;
	[tilespmem:$0x10200] =	vst v63  }
0x24e: {  	s23 =	simm.s32 $0xB200  }
0x24f: {  	[tilespmem:s23], [sflag:$0x2] =	stream.indirect_vreg.gather [hbm4b:s6+s3], $0x80, v3, vm0, $0xb8;
	[tilespmem:$0x10200] =	vst v63  }
0x250: {  	s23 =	simm.s32 $0xBA00  }
0x251: {  	[tilespmem:s23], [sflag:$0x2] =	stream.indirect_vreg.gather [hbm4b:s7+s3], $0x80, v3, vm0, $0xb8;
	[tilespmem:$0x10200] =	vst v63  }
0x252: {  	v3 =	vld [tilespmem:$0x170];
	_ =	sdelay $0x4  }
0x253: {  	v55 =	vshll.u32 v3, $0x3  }
0x254: {  	v3 =	vand.u32 $0x7, v3;
	v4 =	vand.u32 $0xFFFFFFC0, v55  }
0x255: {  	v3 =	vor.u32 v3, v4  }
0x256: {  	v4 =	vperm.xlane v3, v0;
	_ =	sdelay $0x1  }
0x257: {  	v4 =	vadd.s32 v1, v4;
	_ =	sdelay $0x3  }
0x258: {  	s23 =	simm.s32 $0xC200  }
0x259: {  	[tilespmem:s23], [sflag:$0x2] =	stream.indirect_vreg.gather [hbm4b:s2+s3], $0x80, v4, vm0, $0xb8;
	[tilespmem:$0x10200] =	vst v63  }
0x25a: {  	v3 =	vperm.xlane v3, v2;
	s23 =	simm.s32 $0xCA00  }
0x25b: {  	[tilespmem:s23], [sflag:$0x2] =	stream.indirect_vreg.gather [hbm4b:s5+s3], $0x80, v4, vm0, $0xb8;
	[tilespmem:$0x10200] =	vst v63  }
0x25c: {  	s14 =	simm.s32 $0xD200;
	v3 =	vadd.s32 v1, v3  }
0x25d: {  	[tilespmem:s14], [sflag:$0x2] =	stream.indirect_vreg.gather [hbm4b:s6+s3], $0x80, v4, vm0, $0xb8;
	[tilespmem:$0x10200] =	vst v63  }
0x25e: {  	s29 =	simm.s32 $0xDA00  }
0x25f: {  	[tilespmem:s29], [sflag:$0x2] =	stream.indirect_vreg.gather [hbm4b:s7+s3], $0x80, v4, vm0, $0xb8;
	[tilespmem:$0x10200] =	vst v63  }
0x260: {  	s30 =	simm.s32 $0xE200  }
0x261: {  	[tilespmem:s30], [sflag:$0x2] =	stream.indirect_vreg.gather [hbm4b:s2+s3], $0x80, v3, vm0, $0xb8;
	[tilespmem:$0x10200] =	vst v63  }
0x262: {  	s12 =	simm.s32 $0xEA00  }
0x263: {  	[tilespmem:s12], [sflag:$0x2] =	stream.indirect_vreg.gather [hbm4b:s5+s3], $0x80, v3, vm0, $0xb8;
	[tilespmem:$0x10200] =	vst v63  }
0x264: {  	s13 =	simm.s32 $0xF200  }
0x265: {  	[tilespmem:s13], [sflag:$0x2] =	stream.indirect_vreg.gather [hbm4b:s6+s3], $0x80, v3, vm0, $0xb8;
	[tilespmem:$0x10200] =	vst v63  }
0x266: {  	s11 =	simm.s32 $0xFA00  }
0x267: {  	[tilespmem:s11], [sflag:$0x2] =	stream.indirect_vreg.gather [hbm4b:s7+s3], $0x80, v3, vm0, $0xb8;
	[tilespmem:$0x10200] =	vst v63  }
0x268: {  	_ =	swait.ge [sflag:s19], $0x8000  }
0x269: {  	[sflag:s19] =	ssyncset.done $0x0  }
0x26a: {  	s11 =	rddreg [dreg:$0xe];
	[sflag:s19] =	ssyncadd.s32 $0xFFFF8000  }
0x26b: {  	[hbm4b:s11+s20] =	stream.strided.scatter [tilespmem:s10], [sflag:$0x3], $0x8000, s21, s20, $0x38;
	[tilespmem:$0x10200] =	vst v63  }
0x26c: {  	_ =	swait.ge [sflag:s9], $0x8000  }
0x26d: {  	[sflag:s9] =	ssyncset.done $0x0  }
0x26e: {  	[sflag:s9] =	ssyncadd.s32 $0xFFFF8000  }
0x26f: {  	v3 =	vld [tilespmem:$0x180];
	_ =	sdelay $0x4  }
0x270: {  	v56 =	vshll.u32 v3, $0x3  }
0x271: {  	v3 =	vand.u32 $0x7, v3;
	v4 =	vand.u32 $0xFFFFFFC0, v56  }
0x272: {  	v3 =	vor.u32 v3, v4  }
0x273: {  	v4 =	vperm.xlane v3, v0;
	_ =	sdelay $0x1  }
0x274: {  	v4 =	vadd.s32 v1, v4;
	_ =	sdelay $0x4  }
0x275: {  	[tilespmem:s10], [sflag:$0x1] =	stream.indirect_vreg.gather [hbm4b:s2+s3], $0x80, v4, vm0, $0xb8;
	[tilespmem:$0x10200] =	vst v63  }
0x276: {  	s12 =	simm.s32 $0xA00;
	v3 =	vperm.xlane v3, v2  }
0x277: {  	[tilespmem:s12], [sflag:$0x1] =	stream.indirect_vreg.gather [hbm4b:s5+s3], $0x80, v4, vm0, $0xb8;
	[tilespmem:$0x10200] =	vst v63  }
0x278: {  	s13 =	simm.s32 $0x1200;
	v3 =	vadd.s32 v1, v3  }
0x279: {  	[tilespmem:s13], [sflag:$0x1] =	stream.indirect_vreg.gather [hbm4b:s6+s3], $0x80, v4, vm0, $0xb8;
	[tilespmem:$0x10200] =	vst v63  }
0x27a: {  	s23 =	simm.s32 $0x1A00  }
0x27b: {  	[tilespmem:s23], [sflag:$0x1] =	stream.indirect_vreg.gather [hbm4b:s7+s3], $0x80, v4, vm0, $0xb8;
	[tilespmem:$0x10200] =	vst v63  }
0x27c: {  	s11 =	simm.s32 $0x2200  }
0x27d: {  	[tilespmem:s11], [sflag:$0x1] =	stream.indirect_vreg.gather [hbm4b:s2+s3], $0x80, v3, vm0, $0xb8;
	[tilespmem:$0x10200] =	vst v63  }
0x27e: {  	s12 =	simm.s32 $0x2A00  }
0x27f: {  	[tilespmem:s12], [sflag:$0x1] =	stream.indirect_vreg.gather [hbm4b:s5+s3], $0x80, v3, vm0, $0xb8;
	[tilespmem:$0x10200] =	vst v63  }
0x280: {  	s23 =	simm.s32 $0x3200  }
0x281: {  	[tilespmem:s23], [sflag:$0x1] =	stream.indirect_vreg.gather [hbm4b:s6+s3], $0x80, v3, vm0, $0xb8;
	[tilespmem:$0x10200] =	vst v63  }
0x282: {  	s11 =	simm.s32 $0x3A00  }
0x283: {  	[tilespmem:s11], [sflag:$0x1] =	stream.indirect_vreg.gather [hbm4b:s7+s3], $0x80, v3, vm0, $0xb8;
	[tilespmem:$0x10200] =	vst v63  }
0x284: {  	v3 =	vld [tilespmem:$0x190];
	_ =	sdelay $0x4  }
0x285: {  	v57 =	vshll.u32 v3, $0x3  }
0x286: {  	v3 =	vand.u32 $0x7, v3;
	v4 =	vand.u32 $0xFFFFFFC0, v57  }
0x287: {  	v3 =	vor.u32 v3, v4  }
0x288: {  	v4 =	vperm.xlane v3, v0;
	_ =	sdelay $0x1  }
0x289: {  	v4 =	vadd.s32 v1, v4;
	_ =	sdelay $0x3  }
0x28a: {  	s4 =	simm.s32 $0x4200  }
0x28b: {  	[tilespmem:s4], [sflag:$0x1] =	stream.indirect_vreg.gather [hbm4b:s2+s3], $0x80, v4, vm0, $0xb8;
	[tilespmem:$0x10200] =	vst v63  }
0x28c: {  	s12 =	simm.s32 $0x4A00;
	v3 =	vperm.xlane v3, v2  }
0x28d: {  	[tilespmem:s12], [sflag:$0x1] =	stream.indirect_vreg.gather [hbm4b:s5+s3], $0x80, v4, vm0, $0xb8;
	[tilespmem:$0x10200] =	vst v63  }
0x28e: {  	s24 =	simm.s32 $0x5200;
	v3 =	vadd.s32 v1, v3  }
0x28f: {  	[tilespmem:s24], [sflag:$0x1] =	stream.indirect_vreg.gather [hbm4b:s6+s3], $0x80, v4, vm0, $0xb8;
	[tilespmem:$0x10200] =	vst v63  }
0x290: {  	s8 =	simm.s32 $0x5A00  }
0x291: {  	[tilespmem:s8], [sflag:$0x1] =	stream.indirect_vreg.gather [hbm4b:s7+s3], $0x80, v4, vm0, $0xb8;
	[tilespmem:$0x10200] =	vst v63  }
0x292: {  	s15 =	simm.s32 $0x6200  }
0x293: {  	[tilespmem:s15], [sflag:$0x1] =	stream.indirect_vreg.gather [hbm4b:s2+s3], $0x80, v3, vm0, $0xb8;
	[tilespmem:$0x10200] =	vst v63  }
0x294: {  	s16 =	simm.s32 $0x6A00  }
0x295: {  	[tilespmem:s16], [sflag:$0x1] =	stream.indirect_vreg.gather [hbm4b:s5+s3], $0x80, v3, vm0, $0xb8;
	[tilespmem:$0x10200] =	vst v63  }
0x296: {  	s17 =	simm.s32 $0x7200  }
0x297: {  	[tilespmem:s17], [sflag:$0x1] =	stream.indirect_vreg.gather [hbm4b:s6+s3], $0x80, v3, vm0, $0xb8;
	[tilespmem:$0x10200] =	vst v63  }
0x298: {  	s18 =	simm.s32 $0x7A00  }
0x299: {  	[tilespmem:s18], [sflag:$0x1] =	stream.indirect_vreg.gather [hbm4b:s7+s3], $0x80, v3, vm0, $0xb8;
	[tilespmem:$0x10200] =	vst v63  }
0x29a: {  	_ =	swait.ge [sflag:s22], $0x8000  }
0x29b: {  	[sflag:s22] =	ssyncset.done $0x0  }
0x29c: {  	s18 =	rddreg [dreg:$0xf];
	[sflag:s22] =	ssyncadd.s32 $0xFFFF8000  }
0x29d: {  	[hbm4b:s18+s20] =	stream.strided.scatter [tilespmem:s26], [sflag:$0x3], $0x8000, s21, s20, $0x38;
	[tilespmem:$0x10200] =	vst v63  }
0x29e: {  	_ =	swait.ge [sflag:s9], $0x8000  }
0x29f: {  	[sflag:s9] =	ssyncset.done $0x0  }
0x2a0: {  	[sflag:s9] =	ssyncadd.s32 $0xFFFF8000  }
0x2a1: {  	v3 =	vld [tilespmem:$0x1A0];
	_ =	sdelay $0x4  }
0x2a2: {  	v58 =	vshll.u32 v3, $0x3  }
0x2a3: {  	v3 =	vand.u32 $0x7, v3;
	v4 =	vand.u32 $0xFFFFFFC0, v58  }
0x2a4: {  	v3 =	vor.u32 v3, v4  }
0x2a5: {  	v4 =	vperm.xlane v3, v0;
	_ =	sdelay $0x1  }
0x2a6: {  	v4 =	vadd.s32 v1, v4;
	_ =	sdelay $0x4  }
0x2a7: {  	[tilespmem:s26], [sflag:$0x2] =	stream.indirect_vreg.gather [hbm4b:s2+s3], $0x80, v4, vm0, $0xb8;
	[tilespmem:$0x10200] =	vst v63  }
0x2a8: {  	s0 =	simm.s32 $0x8A00;
	v3 =	vperm.xlane v3, v2  }
0x2a9: {  	[tilespmem:s0], [sflag:$0x2] =	stream.indirect_vreg.gather [hbm4b:s5+s3], $0x80, v4, vm0, $0xb8;
	[tilespmem:$0x10200] =	vst v63  }
0x2aa: {  	s23 =	simm.s32 $0x9200;
	v3 =	vadd.s32 v1, v3  }
0x2ab: {  	[tilespmem:s23], [sflag:$0x2] =	stream.indirect_vreg.gather [hbm4b:s6+s3], $0x80, v4, vm0, $0xb8;
	[tilespmem:$0x10200] =	vst v63  }
0x2ac: {  	s25 =	simm.s32 $0x9A00  }
0x2ad: {  	[tilespmem:s25], [sflag:$0x2] =	stream.indirect_vreg.gather [hbm4b:s7+s3], $0x80, v4, vm0, $0xb8;
	[tilespmem:$0x10200] =	vst v63  }
0x2ae: {  	s31 =	simm.s32 $0xA200  }
0x2af: {  	[tilespmem:s31], [sflag:$0x2] =	stream.indirect_vreg.gather [hbm4b:s2+s3], $0x80, v3, vm0, $0xb8;
	[tilespmem:$0x10200] =	vst v63  }
0x2b0: {  	s25 =	simm.s32 $0xAA00  }
0x2b1: {  	[tilespmem:s25], [sflag:$0x2] =	stream.indirect_vreg.gather [hbm4b:s5+s3], $0x80, v3, vm0, $0xb8;
	[tilespmem:$0x10200] =	vst v63  }
0x2b2: {  	s31 =	simm.s32 $0xB200  }
0x2b3: {  	[tilespmem:s31], [sflag:$0x2] =	stream.indirect_vreg.gather [hbm4b:s6+s3], $0x80, v3, vm0, $0xb8;
	[tilespmem:$0x10200] =	vst v63  }
0x2b4: {  	s23 =	simm.s32 $0xBA00  }
0x2b5: {  	[tilespmem:s23], [sflag:$0x2] =	stream.indirect_vreg.gather [hbm4b:s7+s3], $0x80, v3, vm0, $0xb8;
	[tilespmem:$0x10200] =	vst v63  }
0x2b6: {  	v3 =	vld [tilespmem:$0x1B0];
	_ =	sdelay $0x4  }
0x2b7: {  	v59 =	vshll.u32 v3, $0x3  }
0x2b8: {  	v3 =	vand.u32 $0x7, v3;
	v4 =	vand.u32 $0xFFFFFFC0, v59  }
0x2b9: {  	v3 =	vor.u32 v3, v4  }
0x2ba: {  	v4 =	vperm.xlane v3, v0;
	_ =	sdelay $0x1  }
0x2bb: {  	v4 =	vadd.s32 v1, v4;
	_ =	sdelay $0x3  }
0x2bc: {  	s23 =	simm.s32 $0xC200  }
0x2bd: {  	[tilespmem:s23], [sflag:$0x2] =	stream.indirect_vreg.gather [hbm4b:s2+s3], $0x80, v4, vm0, $0xb8;
	[tilespmem:$0x10200] =	vst v63  }
0x2be: {  	v3 =	vperm.xlane v3, v2;
	s23 =	simm.s32 $0xCA00  }
0x2bf: {  	[tilespmem:s23], [sflag:$0x2] =	stream.indirect_vreg.gather [hbm4b:s5+s3], $0x80, v4, vm0, $0xb8;
	[tilespmem:$0x10200] =	vst v63  }
0x2c0: {  	s14 =	simm.s32 $0xD200;
	v3 =	vadd.s32 v1, v3  }
0x2c1: {  	[tilespmem:s14], [sflag:$0x2] =	stream.indirect_vreg.gather [hbm4b:s6+s3], $0x80, v4, vm0, $0xb8;
	[tilespmem:$0x10200] =	vst v63  }
0x2c2: {  	s29 =	simm.s32 $0xDA00  }
0x2c3: {  	[tilespmem:s29], [sflag:$0x2] =	stream.indirect_vreg.gather [hbm4b:s7+s3], $0x80, v4, vm0, $0xb8;
	[tilespmem:$0x10200] =	vst v63  }
0x2c4: {  	s30 =	simm.s32 $0xE200  }
0x2c5: {  	[tilespmem:s30], [sflag:$0x2] =	stream.indirect_vreg.gather [hbm4b:s2+s3], $0x80, v3, vm0, $0xb8;
	[tilespmem:$0x10200] =	vst v63  }
0x2c6: {  	s23 =	simm.s32 $0xEA00  }
0x2c7: {  	[tilespmem:s23], [sflag:$0x2] =	stream.indirect_vreg.gather [hbm4b:s5+s3], $0x80, v3, vm0, $0xb8;
	[tilespmem:$0x10200] =	vst v63  }
0x2c8: {  	s23 =	simm.s32 $0xF200  }
0x2c9: {  	[tilespmem:s23], [sflag:$0x2] =	stream.indirect_vreg.gather [hbm4b:s6+s3], $0x80, v3, vm0, $0xb8;
	[tilespmem:$0x10200] =	vst v63  }
0x2ca: {  	s23 =	simm.s32 $0xFA00  }
0x2cb: {  	[tilespmem:s23], [sflag:$0x2] =	stream.indirect_vreg.gather [hbm4b:s7+s3], $0x80, v3, vm0, $0xb8;
	[tilespmem:$0x10200] =	vst v63  }
0x2cc: {  	_ =	swait.ge [sflag:s19], $0x8000  }
0x2cd: {  	[sflag:s19] =	ssyncset.done $0x0  }
0x2ce: {  	s23 =	rddreg [dreg:$0x10];
	[sflag:s19] =	ssyncadd.s32 $0xFFFF8000  }
0x2cf: {  	[hbm4b:s23+s20] =	stream.strided.scatter [tilespmem:s10], [sflag:$0x3], $0x8000, s21, s20, $0x38;
	[tilespmem:$0x10200] =	vst v63  }
0x2d0: {  	_ =	swait.ge [sflag:s9], $0x8000  }
0x2d1: {  	[sflag:s9] =	ssyncset.done $0x0  }
0x2d2: {  	[sflag:s9] =	ssyncadd.s32 $0xFFFF8000  }
0x2d3: {  	v3 =	vld [tilespmem:$0x1C0];
	_ =	sdelay $0x4  }
0x2d4: {  	v60 =	vshll.u32 v3, $0x3  }
0x2d5: {  	v3 =	vand.u32 $0x7, v3;
	v4 =	vand.u32 $0xFFFFFFC0, v60  }
0x2d6: {  	v3 =	vor.u32 v3, v4  }
0x2d7: {  	v4 =	vperm.xlane v3, v0;
	_ =	sdelay $0x1  }
0x2d8: {  	v4 =	vadd.s32 v1, v4;
	_ =	sdelay $0x4  }
0x2d9: {  	[tilespmem:s10], [sflag:$0x1] =	stream.indirect_vreg.gather [hbm4b:s2+s3], $0x80, v4, vm0, $0xb8;
	[tilespmem:$0x10200] =	vst v63  }
0x2da: {  	s23 =	simm.s32 $0xA00;
	v3 =	vperm.xlane v3, v2  }
0x2db: {  	[tilespmem:s23], [sflag:$0x1] =	stream.indirect_vreg.gather [hbm4b:s5+s3], $0x80, v4, vm0, $0xb8;
	[tilespmem:$0x10200] =	vst v63  }
0x2dc: {  	v3 =	vadd.s32 v1, v3;
	s23 =	simm.s32 $0x1200  }
0x2dd: {  	[tilespmem:s23], [sflag:$0x1] =	stream.indirect_vreg.gather [hbm4b:s6+s3], $0x80, v4, vm0, $0xb8;
	[tilespmem:$0x10200] =	vst v63  }
0x2de: {  	s23 =	simm.s32 $0x1A00  }
0x2df: {  	[tilespmem:s23], [sflag:$0x1] =	stream.indirect_vreg.gather [hbm4b:s7+s3], $0x80, v4, vm0, $0xb8;
	[tilespmem:$0x10200] =	vst v63  }
0x2e0: {  	s13 =	simm.s32 $0x2200  }
0x2e1: {  	[tilespmem:s13], [sflag:$0x1] =	stream.indirect_vreg.gather [hbm4b:s2+s3], $0x80, v3, vm0, $0xb8;
	[tilespmem:$0x10200] =	vst v63  }
0x2e2: {  	s23 =	simm.s32 $0x2A00  }
0x2e3: {  	[tilespmem:s23], [sflag:$0x1] =	stream.indirect_vreg.gather [hbm4b:s5+s3], $0x80, v3, vm0, $0xb8;
	[tilespmem:$0x10200] =	vst v63  }
0x2e4: {  	s23 =	simm.s32 $0x3200  }
0x2e5: {  	[tilespmem:s23], [sflag:$0x1] =	stream.indirect_vreg.gather [hbm4b:s6+s3], $0x80, v3, vm0, $0xb8;
	[tilespmem:$0x10200] =	vst v63  }
0x2e6: {  	s23 =	simm.s32 $0x3A00  }
0x2e7: {  	[tilespmem:s23], [sflag:$0x1] =	stream.indirect_vreg.gather [hbm4b:s7+s3], $0x80, v3, vm0, $0xb8;
	[tilespmem:$0x10200] =	vst v63  }
0x2e8: {  	v3 =	vld [tilespmem:$0x1D0];
	_ =	sdelay $0x4  }
0x2e9: {  	v61 =	vshll.u32 v3, $0x3  }
0x2ea: {  	v3 =	vand.u32 $0x7, v3;
	v4 =	vand.u32 $0xFFFFFFC0, v61  }
0x2eb: {  	v3 =	vor.u32 v3, v4  }
0x2ec: {  	v4 =	vperm.xlane v3, v0;
	_ =	sdelay $0x1  }
0x2ed: {  	v4 =	vadd.s32 v1, v4;
	_ =	sdelay $0x3  }
0x2ee: {  	s1 =	simm.s32 $0x4200  }
0x2ef: {  	[tilespmem:s1], [sflag:$0x1] =	stream.indirect_vreg.gather [hbm4b:s2+s3], $0x80, v4, vm0, $0xb8;
	[tilespmem:$0x10200] =	vst v63  }
0x2f0: {  	s12 =	simm.s32 $0x4A00;
	v3 =	vperm.xlane v3, v2  }
0x2f1: {  	[tilespmem:s12], [sflag:$0x1] =	stream.indirect_vreg.gather [hbm4b:s5+s3], $0x80, v4, vm0, $0xb8;
	[tilespmem:$0x10200] =	vst v63  }
0x2f2: {  	s4 =	simm.s32 $0x5200;
	v3 =	vadd.s32 v1, v3  }
0x2f3: {  	[tilespmem:s4], [sflag:$0x1] =	stream.indirect_vreg.gather [hbm4b:s6+s3], $0x80, v4, vm0, $0xb8;
	[tilespmem:$0x10200] =	vst v63  }
0x2f4: {  	s24 =	simm.s32 $0x5A00  }
0x2f5: {  	[tilespmem:s24], [sflag:$0x1] =	stream.indirect_vreg.gather [hbm4b:s7+s3], $0x80, v4, vm0, $0xb8;
	[tilespmem:$0x10200] =	vst v63  }
0x2f6: {  	s8 =	simm.s32 $0x6200  }
0x2f7: {  	[tilespmem:s8], [sflag:$0x1] =	stream.indirect_vreg.gather [hbm4b:s2+s3], $0x80, v3, vm0, $0xb8;
	[tilespmem:$0x10200] =	vst v63  }
0x2f8: {  	s15 =	simm.s32 $0x6A00  }
0x2f9: {  	[tilespmem:s15], [sflag:$0x1] =	stream.indirect_vreg.gather [hbm4b:s5+s3], $0x80, v3, vm0, $0xb8;
	[tilespmem:$0x10200] =	vst v63  }
0x2fa: {  	s16 =	simm.s32 $0x7200  }
0x2fb: {  	[tilespmem:s16], [sflag:$0x1] =	stream.indirect_vreg.gather [hbm4b:s6+s3], $0x80, v3, vm0, $0xb8;
	[tilespmem:$0x10200] =	vst v63  }
0x2fc: {  	s17 =	simm.s32 $0x7A00  }
0x2fd: {  	[tilespmem:s17], [sflag:$0x1] =	stream.indirect_vreg.gather [hbm4b:s7+s3], $0x80, v3, vm0, $0xb8;
	[tilespmem:$0x10200] =	vst v63  }
0x2fe: {  	_ =	swait.ge [sflag:s22], $0x8000  }
0x2ff: {  	[sflag:s22] =	ssyncset.done $0x0  }
0x300: {  	s15 =	rddreg [dreg:$0x11];
	[sflag:s22] =	ssyncadd.s32 $0xFFFF8000  }
0x301: {  	[hbm4b:s15+s20] =	stream.strided.scatter [tilespmem:s26], [sflag:$0x3], $0x8000, s21, s20, $0x38;
	[tilespmem:$0x10200] =	vst v63  }
0x302: {  	_ =	swait.ge [sflag:s9], $0x8000  }
0x303: {  	[sflag:s9] =	ssyncset.done $0x0  }
0x304: {  	[sflag:s9] =	ssyncadd.s32 $0xFFFF8000  }
0x305: {  	v3 =	vld [tilespmem:$0x1E0];
	_ =	sdelay $0x4  }
0x306: {  	v62 =	vshll.u32 v3, $0x3  }
0x307: {  	v3 =	vand.u32 $0x7, v3;
	v4 =	vand.u32 $0xFFFFFFC0, v62  }
0x308: {  	v3 =	vor.u32 v3, v4  }
0x309: {  	v4 =	vperm.xlane v3, v0;
	_ =	sdelay $0x1  }
0x30a: {  	v4 =	vadd.s32 v1, v4;
	_ =	sdelay $0x4  }
0x30b: {  	[tilespmem:s26], [sflag:$0x2] =	stream.indirect_vreg.gather [hbm4b:s2+s3], $0x80, v4, vm0, $0xb8;
	[tilespmem:$0x10200] =	vst v63  }
0x30c: {  	s11 =	simm.s32 $0x8A00;
	v3 =	vperm.xlane v3, v2  }
0x30d: {  	[tilespmem:s11], [sflag:$0x2] =	stream.indirect_vreg.gather [hbm4b:s5+s3], $0x80, v4, vm0, $0xb8;
	[tilespmem:$0x10200] =	vst v63  }
0x30e: {  	s16 =	simm.s32 $0x9200;
	v3 =	vadd.s32 v1, v3  }
0x30f: {  	[tilespmem:s16], [sflag:$0x2] =	stream.indirect_vreg.gather [hbm4b:s6+s3], $0x80, v4, vm0, $0xb8;
	[tilespmem:$0x10200] =	vst v63  }
0x310: {  	s0 =	simm.s32 $0x9A00  }
0x311: {  	[tilespmem:s0], [sflag:$0x2] =	stream.indirect_vreg.gather [hbm4b:s7+s3], $0x80, v4, vm0, $0xb8;
	[tilespmem:$0x10200] =	vst v63  }
0x312: {  	s18 =	simm.s32 $0xA200  }
0x313: {  	[tilespmem:s18], [sflag:$0x2] =	stream.indirect_vreg.gather [hbm4b:s2+s3], $0x80, v3, vm0, $0xb8;
	[tilespmem:$0x10200] =	vst v63  }
0x314: {  	s25 =	simm.s32 $0xAA00  }
0x315: {  	[tilespmem:s25], [sflag:$0x2] =	stream.indirect_vreg.gather [hbm4b:s5+s3], $0x80, v3, vm0, $0xb8;
	[tilespmem:$0x10200] =	vst v63  }
0x316: {  	s31 =	simm.s32 $0xB200  }
0x317: {  	[tilespmem:s31], [sflag:$0x2] =	stream.indirect_vreg.gather [hbm4b:s6+s3], $0x80, v3, vm0, $0xb8;
	[tilespmem:$0x10200] =	vst v63  }
0x318: {  	s17 =	simm.s32 $0xBA00  }
0x319: {  	[tilespmem:s17], [sflag:$0x2] =	stream.indirect_vreg.gather [hbm4b:s7+s3], $0x80, v3, vm0, $0xb8;
	[tilespmem:$0x10200] =	vst v63  }
0x31a: {  	v3 =	vld [tilespmem:$0x1F0];
	_ =	sdelay $0x4  }
0x31b: {  	v63 =	vshll.u32 v3, $0x3  }
0x31c: {  	v3 =	vand.u32 $0x7, v3;
	v4 =	vand.u32 $0xFFFFFFC0, v63  }
0x31d: {  	v3 =	vor.u32 v3, v4  }
0x31e: {  	v4 =	vperm.xlane v3, v0;
	_ =	sdelay $0x1  }
0x31f: {  	v4 =	vadd.s32 v1, v4;
	_ =	sdelay $0x3  }
0x320: {  	s18 =	simm.s32 $0xC200  }
0x321: {  	[tilespmem:s18], [sflag:$0x2] =	stream.indirect_vreg.gather [hbm4b:s2+s3], $0x80, v4, vm0, $0xb8;
	[tilespmem:$0x10200] =	vst v63  }
0x322: {  	s23 =	simm.s32 $0xCA00;
	v3 =	vperm.xlane v3, v2  }
0x323: {  	[tilespmem:s23], [sflag:$0x2] =	stream.indirect_vreg.gather [hbm4b:s5+s3], $0x80, v4, vm0, $0xb8;
	[tilespmem:$0x10200] =	vst v63  }
0x324: {  	s14 =	simm.s32 $0xD200;
	v3 =	vadd.s32 v1, v3  }
0x325: {  	[tilespmem:s14], [sflag:$0x2] =	stream.indirect_vreg.gather [hbm4b:s6+s3], $0x80, v4, vm0, $0xb8;
	[tilespmem:$0x10200] =	vst v63  }
0x326: {  	s29 =	simm.s32 $0xDA00  }
0x327: {  	[tilespmem:s29], [sflag:$0x2] =	stream.indirect_vreg.gather [hbm4b:s7+s3], $0x80, v4, vm0, $0xb8;
	[tilespmem:$0x10200] =	vst v63  }
0x328: {  	s30 =	simm.s32 $0xE200  }
0x329: {  	[tilespmem:s30], [sflag:$0x2] =	stream.indirect_vreg.gather [hbm4b:s2+s3], $0x80, v3, vm0, $0xb8;
	[tilespmem:$0x10200] =	vst v63  }
0x32a: {  	s24 =	simm.s32 $0xEA00  }
0x32b: {  	[tilespmem:s24], [sflag:$0x2] =	stream.indirect_vreg.gather [hbm4b:s5+s3], $0x80, v3, vm0, $0xb8;
	[tilespmem:$0x10200] =	vst v63  }
0x32c: {  	s25 =	simm.s32 $0xF200  }
0x32d: {  	[tilespmem:s25], [sflag:$0x2] =	stream.indirect_vreg.gather [hbm4b:s6+s3], $0x80, v3, vm0, $0xb8;
	[tilespmem:$0x10200] =	vst v63  }
0x32e: {  	s29 =	simm.s32 $0xFA00  }
0x32f: {  	[tilespmem:s29], [sflag:$0x2] =	stream.indirect_vreg.gather [hbm4b:s7+s3], $0x80, v3, vm0, $0xb8;
	[tilespmem:$0x10200] =	vst v63  }
0x330: {  	_ =	swait.ge [sflag:s19], $0x8000  }
0x331: {  	[sflag:s19] =	ssyncset.done $0x0  }
0x332: {  	s30 =	rddreg [dreg:$0x12];
	[sflag:s19] =	ssyncadd.s32 $0xFFFF8000  }
0x333: {  	[hbm4b:s30+s20] =	stream.strided.scatter [tilespmem:s10], [sflag:$0x3], $0x8000, s21, s20, $0x38;
	[tilespmem:$0x10200] =	vst v63  }
0x334: {  	_ =	swait.ge [sflag:s9], $0x8000  }
0x335: {  	[sflag:s9] =	ssyncset.done $0x0  }
0x336: {  	[sflag:s9] =	ssyncadd.s32 $0xFFFF8000  }
0x337: {  	_ =	swait.ge [sflag:s22], $0x8000  }
0x338: {  	p0 =	sne.s32 s28, $0x1;
	[sflag:s22] =	ssyncset.done $0x0  }
.Ltmp0:
0x339: {  	s31 =	rddreg [dreg:$0x13];
	[sflag:s22] =	ssyncadd.s32 $0xFFFF8000;
	(pc) =	sbr.rel @p0 .LBB2_1-.Ltmp0, $4  }
0x33a: {  	[hbm4b:s31+s20] =	stream.strided.scatter [tilespmem:s26], [sflag:$0x3], $0x8000, s21, s20, $0x38;
	[tilespmem:$0x10200] =	vst v63  }
0x33b: {  	_ =	swait.ge [sflag:s9], $0x8000  }
0x33c: {  	[sflag:s9] =	ssyncset.done $0x0  }
0x33d: {  	s28 =	sadd.s32 $0xFFFFFFFF, s28;
	[sflag:s9] =	ssyncadd.s32 $0xFFFF8000  }
0x33e: {  	_ =	sfence.sel $0x180000  }
0x33f: {  	[bflag:$0x0] =	sbarrier.arrive $0xFFFF  }
0x340: {  	_ =	strace $0x90000047  }
0x341: {  	s0 =	stileid.u32;
	[bflag:$0x2] =	sbarrier.arrive $0xFFFF  }
0x342: {  	p0 =	sne.s32 s0, $0x0;
	s0 =	rddreg [dreg:$0x3]  }
0x343: {  	s0 =	sadd.s32 @!p0 $0x100000, s0  }
0x344: {  	[sflag:s0] =	ssyncadd.tile.s32 @!p0 $0x1;
	_ =	shalt  }
.Lfunc_end2:
_tile_overlayer_lowered:
.L_overlay_start_2:
0x345: {  	(tag) =	ssettag $0x2  }
0x346: {  	s0 =	rddreg [dreg:$0x0];
	s2 =	stileid.u32  }
0x347: {  	s1 =	rddreg [dreg:$0x1];
	p0 =	sne.s32 s2, $0x0  }
0x348: {  	s3 =	rddreg [dreg:$0x2];
	[bflag:$0x3] =	sbarrier.arrive $0xFFFF;
	s2 =	simm.s32 @!p0 $0x1C03  }
0x349: {  	[timem:s3], [sflag:s2] =	dma.local @!p0 [hbm:s0], s1  }
0x34a: {  	s0 =	simm.s32 @!p0 $0x3  }
0x34b: {  	_ =	swait.ge @!p0 [sflag:s0], s1  }
0x34c: {  	s1 =	ssub.s32 @!p0 $0x0, s1;
	[sflag:s0] =	ssyncset.done @!p0 $0x0  }
0x34d: {  	[sflag:s0] =	ssyncadd.s32 @!p0 s1  }
0x34e: {  	[bflag:$0x3] =	sbarrier.arrive $0xFFFF  }
0x34f: {  	_ =	shalt  }

// kernel: sparse-core-data-format-call.cloned.1.call-start
scs
called_computation_lowered:
.L_overlay_start_0:
0x0: {  	s2 =	sld [smem:$0x3FD9]  }
0x1: {  	s3 =	sld [smem:$0x3FFE];
	_ =	sdelay $0x1  }
0x2: {  	s1 =	srdreg.scid  }
0x3: {  	s0 =	sand.u32 $0x1, s1  }
0x4: {  	s18 =	sshll.u32 s0, $0xA;
	s2 =	sadd.s32 s3, s2  }
0x5: {  	s2 =	sadd.s32 s2, s18  }
0x6: {  	[smem:$0x3FC5] =	sst s2  }
0x7: {  	_ = 	snop  }
0x8: {  	s2 =	sld [smem:$0x3FD0];
	(tm) =	ssettm $0x1  }
0x9: {  	s19 =	sld [smem:$0x3FFB];
	_ =	sdelay $0x3  }
0xa: {  	_ =	strace s19  }
0xb: {  	s3 =	sld [smem:$0x3FFC];
	_ =	sdelay $0x3  }
0xc: {  	_ =	strace s3  }
0xd: {  	s3 =	sld [smem:$0x3FFD];
	_ =	sdelay $0x3  }
0xe: {  	_ =	strace s3  }
0xf: {  	_ =	strace $0x8FFFFFFF  }
0x10: {  	s20 =	sld [smem:$0x3FDB];
	_ =	sdelay $0x1  }
0x11: {  	s4 =	simm.s32 $_scs_section_size  }
0x12: {  	s5 =	simm.s32 $_size__tile_overlayer_lowered;
	s6 =	simm.s32 $_tile_overlayer_lowered  }
0x13: {  	s23 =	simm.s32 $0x1BFF;
	s22 =	sshll.u32 s6, $0x1;
	s3 =	sadd.s32 s4, s20  }
0x14: {  	s7 =	simm.s32 $0x0;
	s21 =	sshll.u32 s5, $0x1;
	s5 =	sadd.s32 s22, s3  }
0x15: {  	[timem:s7], [sflag:s23] =	dma.local [hbm:s5], s21  }
0x16: {  	_ =	swait.ge [sflag:s23], s21  }
0x17: {  	s4 =	ssub.s32 $0x0, s21;
	[sflag:s23] =	ssyncset.done $0x0  }
0x18: {  	[sflag:s23] =	ssyncadd.s32 s4;
	_ =	sdelay $0x1  }
0x19: {  	s24 =	simm.s32 $0x1B8B  }
0x1a: {  	_ =	swait.ge [sflag:s24], $0x1  }
0x1b: {  	[sflag:s24] =	ssyncset.done $0x0  }
0x1c: {  	s26 =	simm.s32 $0x1B8E;
	s25 =	sld [smem:$0x3FFE];
	[sflag:s24] =	ssyncadd.s32 $0xFFFFFFFF  }
0x1d: {  	s27 =	simm.s32 $execute0_lowered;
	[smem:$0x3FD2] =	sst s26  }
0x1e: {  	s5 =	sshll.u32 s27, $0x1;
	_ =	strace $0x80000049;
	[dreg:$0x1] =	wrdreg $0xFFFFFFFF  }
0x1f: {  	s28 =	simm.s32 $_size_execute0_lowered;
	s3 =	sadd.s32 s3, s5;
	[dreg:$0x0] =	wrdreg $0x0  }
0x20: {  	s5 =	sshll.u32 s28, $0x1;
	[dreg:$0x2] =	wrdreg s3  }
0x21: {  	[dreg:$0x3] =	wrdreg s5  }
0x22: {  	[dreg:$0x4] =	wrdreg $0xC0  }
0x23: {  	_ =	task [dreg:s7], $0x5FFFF  }
0x24: {  	[dreg:$0x1] =	wrdreg $0xFFFFFFFF  }
0x25: {  	[dreg:$0x0] =	wrdreg $0x60  }
0x26: {  	[dreg:$0x2] =	wrdreg s25  }
0x27: {  	[dreg:$0x3] =	wrdreg s2  }
0x28: {  	[dreg:$0x4] =	wrdreg $0x9  }
0x29: {  	_ =	task.clear_ibuf [dreg:s7], $0x5FFFF;
	_ =	strace $0x90000049  }
0x2a: {  	s29 =	simm.s32 $0x9;
	_ =	strace $0x8000004B  }
0x2b: {  	_ =	swait.ge [sflag:s29], $0x1  }
0x2c: {  	[sflag:s29] =	ssyncadd.s32 $0xFFFFFFFF  }
0x2d: {  	_ =	strace $0x9000004B  }
0x2e: {  	_ =	sfence  }
0x2f: {  	s30 =	sld [smem:$0x0];
	_ =	sdelay $0x2  }
0x30: {  	s31 =	sshll.u32 s1, $0xD;
	s1 =	sshrl.u32 s1, $0x2  }
0x31: {  	s3 =	sand.u32 $0x4000, s31;
	s1 =	sadd.s32 s1, s30  }
0x32: {  	s0 =	sor.u32 s3, s0;
	s1 =	sshll.u32 s1, $0x11  }
0x33: {  	s0 =	sor.u32 s1, s0  }
0x34: {  	s0 =	sadd.s32 $0x8F2B, s0  }
0x35: {  	[sflag:s0] =	ssyncadd.remote.s32 $0x1  }
0x36: {  	_ =	sfence.sel $0xFFFF  }
0x37: {  	[dreg:$0x0] =	wrdreg $0xFFFFFFFF;
	(pc) =	sbr.abs _section_cstart, $3  }
0x38: {  	[dreg:$0x1] =	wrdreg $0xFFFFFFFF  }
0x39: {  	_ =	task.clear_ibuf [dreg:s7], $0x2FFFF;
	_ =	strace $0x9FFFFFFF  }
0x3a: {  	(tm) =	ssettm $0x7FFFFFFF  }
0x3b: {  	_ =	shalt  }
tec
execute0_lowered:
.L_overlay_start_1:
0x0: {  	(tag) =	ssettag $0x1  }
0x1: {  	s0 =	stileid.u32;
	s5 =	rddreg [dreg:$0x0]  }
0x2: {  	s1 =	srdreg.scid;
	s3 =	rddreg [dreg:$0x1];
	s6 =	simm.s32 $0x1  }
0x3: {  	s8 =	simm.s32 $0x2;
	s2 =	sshll.u32 s0, $0x5;
	s1 =	sshll.u32 s1, $0x9  }
0x4: {  	s18 =	simm.s32 $0x0;
	s9 =	simm.s32 $0x4000;
	s1 =	sor.u32 s2, s1  }
0x5: {  	s17 =	simm.s32 $0x0;
	s19 =	simm.s32 $0x0;
	s2 =	sand.u32 $0x380, s1  }
0x6: {  	s10 =	simm.s32 $0x0;
	s11 =	simm.s32 $0x0;
	s4 =	ssub.s32 $0x1000, s2  }
0x7: {  	s12 =	simm.s32 $0x0;
	s13 =	simm.s32 $0x0;
	s31 =	sand.u32 $0x380, s4  }
0x8: {  	s16 =	simm.s32 $0x0;
	s7 =	sand.u32 $0x3, s0;
	p0 =	sne.s32 s31, $0x0  }
.Ltmp0:
0x9: {  	s4 =	sshrl.u32 s4, $0xA;
	s6 =	simm.s32 @!p0 $0x0;
	(pc) =	sbr.rel .LBB1_1-.Ltmp0, $4  }
0xa: {  	s1 =	rddreg [dreg:$0x2];
	_ =	strace $0x8000004A;
	s6 =	sadd.s32 s6, s4  }
0xb: {  	s4 =	sadd.s32 $0xA00, s5;
	s5 =	simm.s32 $0x1;
	s6 =	smul.u32 $0x9, s6  }
0xc: {  	s15 =	smov.u32 s7;
	s14 =	smov.u32 s2;
	[sflag:s5] =	ssyncpa.u1 $0x0  }
0xd: {  	p0 =	por $0x0, $0x0;
	[sflag:s8] =	ssyncpa.u1 $0x0;
	s8 =	sadd.s32 $0x1, s6  }
.LBB1_4:
0xe: {  	s24 =	sshra.s32 s24, $0x2  }
0xf: {  	s25 =	sshll.u32 s12, $0x7;
	s30 =	sand.u32 $0x78, s11;
	p2 =	sgt.s32 s12, $0x3  }
0x10: {  	s26 =	sshra.s32 s12, $0x1F;
	p1 =	sgt.s32 s10, $0x381;
	s27 =	sshra.s32 s11, $0x1F  }
0x11: {  	s31 =	sshra.s32 s10, $0x1F;
	s23 =	sadd.s32 s24, s23;
	s25 =	sand.u32 $0x180, s25  }
0x12: {  	s26 =	sand.u32 s26, s12;
	s24 =	sor.u32 s25, s30;
	s25 =	smov.u32 s12  }
0x13: {  	v5 =	vld [tilespmem:s21+$0xFFFFFFD0];
	s27 =	sand.u32 s27, s11;
	s30 =	sshll.u32 s11, $0x2;
	s25 =	simm.s32 @!p2 $0x3  }
0x14: {  	[tilespmem:s22+$0x2040 ss:$0x81] =	vst.msk $0xffff, v4;
	v58 =	vld [tilespmem:s21+$0xFFFFFFE0];
	p2 =	sgt.s32 s11, $0xF80;
	s25 =	ssub.s32 s25, s26;
	s26 =	smov.u32 s11  }
0x15: {  	[tilespmem:s22+$0x2850 ss:$0x81] =	vst.msk $0xffff, v3;
	v59 =	vld [tilespmem:s21+$0xFFFFFFF0];
	s28 =	sadd.s32 $0xFFFFFFFD, s25;
	s26 =	simm.s32 @!p2 $0xF80;
	s25 =	ssub.s32 $0x4, s25  }
0x16: {  	[tilespmem:s22+$0x3060 ss:$0x81] =	vst.msk $0xffff, v2;
	v60 =	vld [tilespmem:s21+$0x0];
	p2 =	sgt.s32 s28, $0x0;
	s28 =	smov.u32 s10;
	s26 =	ssub.s32 s26, s27  }
0x17: {  	[tilespmem:s22+$0x0 ss:$0x81] =	vst.msk $0xffff, v1;
	v61 =	vld [tilespmem:s21+$0x10];
	s27 =	sand.u32 s31, s10;
	s31 =	sand.u32 $0xE00, s30;
	s28 =	simm.s32 @!p1 $0x381  }
0x18: {  	v62 =	vld [tilespmem:s21+$0x20];
	[tilespmem:s23+$0x3870 ss:$0x81] =	vst.msk $0xffff, v0;
	s25 =	simm.s32 @p2 $0x0;
	s22 =	ssub.s32 s28, s27;
	s28 =	sadd.s32 $0xFFFFF080, s26  }
0x19: {  	v63 =	vld [tilespmem:s21+$0xFFFFFFC0];
	[tilespmem:s23+$0x810 ss:$0x81] =	vst.msk $0xffff, v5;
	s21 =	sor.u32 s31, s24;
	s26 =	ssub.s32 $0x1000, s26;
	p1 =	sgt.s32 s28, $0x7F  }
0x1a: {  	[tilespmem:s23+$0x1020 ss:$0x81] =	vst.msk $0xffff, v58;
	s27 =	sshll.u32 s10, $0xB;
	s29 =	sadd.s32 $0xFFFFFC7F, s22;
	s26 =	simm.s32 @p1 $0x0  }
0x1b: {  	[tilespmem:s23+$0x1830 ss:$0x81] =	vst.msk $0xffff, v59;
	s22 =	ssub.s32 $0x401, s22;
	p1 =	sgt.s32 s29, $0x7F;
	s25 =	smul.u32 s25, s26  }
0x1c: {  	[tilespmem:s23+$0x2040 ss:$0x81] =	vst.msk $0xffff, v60;
	s28 =	sshrl.u32 s11, $0x1;
	s24 =	sadd.s32 s3, s27;
	s22 =	simm.s32 @p1 $0x0  }
0x1d: {  	[tilespmem:s23+$0x2850 ss:$0x81] =	vst.msk $0xffff, v61;
	s29 =	sand.u32 $0x7, s11;
	s22 =	smul.u32 s22, s25;
	s25 =	sand.u32 $0x600, s28  }
0x1e: {  	[tilespmem:s23+$0x3060 ss:$0x81] =	vst.msk $0xffff, v62;
	s21 =	sshrl.u32 s21, $0x3;
	s30 =	sshll.u32 s29, $0x12;
	s24 =	sadd.s32 s25, s24  }
0x1f: {  	[tilespmem:s23+$0x0 ss:$0x81] =	vst.msk $0xffff, v63;
	s31 =	sor.u32 $0x80, s30;
	s22 =	sand.u32 $0x3FFFFFFF, s22;
	s21 =	sadd.s32 s21, s24  }
0x20: {  	[hbm4b:s21+s31] =	stream.strided.scatter [tilespmem:s20], [sflag:$0x2], s22, s9, s31, $0x20;
	[tilespmem:$0x10100] =	vst v63  }
.LBB1_5:
0x21: {  	p1 =	slt.u32 s16, $0x2;
	s21 =	smov.u32 s19  }
0x22: {  	p2 =	sgt.s32 @!p1 s18, $0x381;
	s20 =	sshra.s32 @!p1 s18, $0x1F;
	p3 =	sgt.s32 @!p1 s19, $0x3  }
0x23: {  	s22 =	sshra.s32 @!p1 s19, $0x1F;
	p2 =	por !p2, p1;
	s20 =	sand.u32 @!p1 s20, s18  }
0x24: {  	p3 =	por !p3, p1;
	s19 =	sand.u32 @!p1 s22, s19;
	s22 =	sshra.s32 @!p1 s17, $0x1F  }
0x25: {  	s21 =	simm.s32 @p3 $0x3;
	p3 =	sgt.s32 @!p1 s17, $0xF80;
	s18 =	simm.s32 @p2 $0x381  }
0x26: {  	s19 =	ssub.s32 @!p1 s21, s19;
	p3 =	por !p3, p1;
	s21 =	smov.u32 s17  }
0x27: {  	s17 =	sand.u32 @!p1 s22, s17;
	s18 =	ssub.s32 @!p1 s18, s20;
	s21 =	simm.s32 @p3 $0xF80  }
0x28: {  	s20 =	sadd.s32 @!p1 $0xFFFFFFFD, s19;
	s19 =	ssub.s32 @!p1 $0x4, s19;
	s17 =	ssub.s32 @!p1 s21, s17  }
0x29: {  	s21 =	sadd.s32 @!p1 $0xFFFFFC7F, s18;
	p2 =	sgt.s32 @!p1 s20, $0x0;
	s20 =	sadd.s32 @!p1 $0xFFFFF080, s17  }
0x2a: {  	s18 =	ssub.s32 @!p1 $0x401, s18;
	p2 =	por !p2, p1;
	p3 =	sgt.s32 @!p1 s20, $0x7F  }
0x2b: {  	s17 =	ssub.s32 @!p1 $0x1000, s17;
	s19 =	simm.s32 @!p2 $0x0;
	p2 =	por !p3, p1  }
0x2c: {  	s20 =	sadd.s32 $0x80, s13;
	p3 =	sgt.s32 @!p1 s21, $0x7F;
	s17 =	simm.s32 @!p2 $0x0  }
0x2d: {  	s21 =	smov.u32 s14;
	p2 =	por !p3, p1;
	s17 =	smul.u32 @!p1 s19, s17  }
0x2e: {  	s18 =	simm.s32 @!p2 $0x0;
	p2 =	sgt.s32 s20, $0x400;
	s19 =	sadd.s32 $0x400, s14  }
0x2f: {  	s22 =	smov.u32 s15;
	s21 =	smov.u32 @p2 s19  }
0x30: {  	s17 =	smul.u32 @!p1 s18, s17;
	p3 =	sgt.s32 s21, $0xFFF;
	s18 =	sadd.s32 $0x4, s15  }
0x31: {  	p0 =	por !p0, !p0;
	s23 =	simm.s32 @!p1 $0x2;
	s22 =	smov.u32 @p3 s18  }
0x32: {  	s20 =	simm.s32 @p2 $0x0;
	s19 =	smov.u32 s12;
	p2 =	sgt.s32 s22, $0x3  }
0x33: {  	s12 =	smov.u32 s15;
	s22 =	smov.u32 @p2 s7;
	p2 =	sne.s32 s16, s8  }
.Ltmp1:
0x34: {  	s21 =	smov.u32 @p3 s2;
	s18 =	smov.u32 s10;
	(pc) =	sbr.rel @!p2 .LBB1_6-.Ltmp1, $4  }
0x35: {  	s10 =	smov.u32 s13;
	s13 =	smov.u32 s20;
	s17 =	sand.u32 @!p1 $0x3FFFFFFF, s17  }
0x36: {  	_ =	swait.ge @!p1 [sflag:s23], s17;
	s24 =	ssub.s32 @!p1 $0x0, s17;
	s17 =	smov.u32 s11  }
0x37: {  	s16 =	sadd.s32 $0x1, s16;
	s11 =	smov.u32 s14;
	[sflag:s23] =	ssyncset.done @!p1 $0x0  }
0x38: {  	s14 =	smov.u32 s21;
	s15 =	smov.u32 s22;
	[sflag:s23] =	ssyncadd.s32 @!p1 s24  }
.LBB1_1:
0x39: {  	p1 =	sge.u32 s16, s6  }
0x3a: {  	s20 =	sshrl.u32 @!p1 s14, $0x3  }
0x3b: {  	s21 =	sshll.u32 @!p1 s13, $0x3;
	s20 =	smul.u32 @!p1 $0x2400, s20  }
0x3c: {  	s22 =	sshll.u32 @!p1 s14, $0x7;
	s21 =	sand.u32 @!p1 $0xFFFFFC00, s21  }
0x3d: {  	s20 =	sadd.s32 @!p1 s20, s21;
	s21 =	sand.u32 @!p1 $0x380, s22  }
0x3e: {  	s22 =	sand.u32 @!p1 $0x7F, s13;
	s20 =	sor.u32 @!p1 s21, s20  }
0x3f: {  	s21 =	sor.u32 @!p1 s22, s20  }
0x40: {  	s22 =	smulhi.u32 @!p1 $0x38E38E39, s21  }
0x41: {  	s20 =	smulhi.u32 @!p1 $0x38E38E39, s20  }
0x42: {  	s22 =	sshrl.u32 @!p1 s22, $0x8  }
0x43: {  	s31 =	sadd.s32 $0xFFFFFFFF, s16;
	s20 =	sshrl.u32 @!p1 s20, $0x8;
	s22 =	smul.u32 @!p1 $0x480, s22  }
0x44: {  	s23 =	sxor.u32 @!p1 $0xFFFFFFFF, s16;
	s24 =	smul.u32 @!p1 $0x90000, s15;
	s20 =	sand.u32 @!p1 $0xFFF, s20  }
0x45: {  	s23 =	sshll.u32 @!p1 s23, $0xE;
	s20 =	smul.u32 @!p1 $0x90, s20;
	s21 =	ssub.s32 @!p1 s21, s22  }
0x46: {  	s22 =	sand.u32 @!p1 $0x4000, s23;
	s23 =	sadd.s32 @!p1 s4, s24;
	s24 =	sand.u32 @!p1 $0x7, s21  }
0x47: {  	s21 =	sshrl.u32 @!p1 s21, $0x3;
	s20 =	sadd.s32 @!p1 s20, s23;
	s23 =	sshll.u32 @!p1 s24, $0x12  }
0x48: {  	s20 =	sadd.s32 @!p1 s21, s20;
	s21 =	sor.u32 @!p1 $0x400, s23;
	s23 =	simm.s32 @!p1 $0x2400  }
0x49: {  	[tilespmem:s22], [sflag:$0x1] =	stream.strided.gather @!p1 [hbm4b:s20+s21], $0x4000, s23, s21, $0x38;
	[tilespmem:$0x10100] =	vst v63  }
0x4a: {  	p1 =	sge.u32 s31, s6  }
.Ltmp2:
0x4b: {  	_ = 	snop;
	(pc) =	sbr.rel @p1 .LBB1_5-.Ltmp2, $1  }
0x4c: {  	_ =	sdelay $0x3  }
0x4d: {  	s20 =	simm.s32 $0x1  }
0x4e: {  	_ =	swait.ge [sflag:s5], $0x4000;
	s20 =	simm.s32 @!p0 $0x0  }
0x4f: {  	[sflag:s5] =	ssyncset.done $0x0;
	s21 =	sshll.u32 s20, $0xE  }
0x50: {  	[sflag:s5] =	ssyncadd.s32 $0xFFFFC000;
	s21 =	sor.u32 $0x40, s21  }
0x51: {  	s20 =	smul.u32 $0x10200, s20;
	v0 =	vld [tilespmem:s21+$0x30]  }
0x52: {  	v1 =	vld [tilespmem:s21+$0xFFFFFFD0]  }
0x53: {  	s20 =	sshrl.u32 s20, $0x2;
	v5 =	vld [tilespmem:s21+$0xFFFFFFE0]  }
0x54: {  	v6 =	vld [tilespmem:s21+$0xFFFFFFF0];
	s23 =	sor.u32 $0x8000, s20  }
0x55: {  	s31 =	sand.u32 $0x1, s16;
	v4 =	vld [tilespmem:s21+$0x0];
	s22 =	sadd.s32 $0x0, s23  }
0x56: {  	v3 =	vld [tilespmem:s21+$0x10];
	s20 =	smul.u32 $0x10200, s31;
	[tilespmem:s22+$0x3870 ss:$0x81] =	vst.msk $0xffff, v0  }
0x57: {  	v2 =	vld [tilespmem:s21+$0x20];
	[tilespmem:s22+$0x810 ss:$0x81] =	vst.msk $0xffff, v1  }
0x58: {  	s20 =	sshrl.u32 s20, $0x2;
	v1 =	vld [tilespmem:s21+$0xFFFFFFC0];
	[tilespmem:s22+$0x1020 ss:$0x81] =	vst.msk $0xffff, v5;
	s21 =	sadd.s32 $0x80, s21  }
0x59: {  	s24 =	simm.s32 $0x4;
	s25 =	simm.s32 $0x8;
	s20 =	sor.u32 $0x8000, s20;
	[tilespmem:s22+$0x1830 ss:$0x81] =	vst.msk $0xffff, v6;
	v0 =	vld [tilespmem:s21+$0x30]  }
.LBB1_3:
0x5a: {  	p1 =	sne.s32 s25, $0x1FC;
	v5 =	vld [tilespmem:s21+$0xFFFFFFD0];
	[tilespmem:s22+$0x2040 ss:$0x81] =	vst.msk $0xffff, v4  }
0x5b: {  	v6 =	vld [tilespmem:s21+$0xFFFFFFE0];
	[tilespmem:s22+$0x2850 ss:$0x81] =	vst.msk $0xffff, v3  }
0x5c: {  	s26 =	sshra.s32 s24, $0x2;
	s24 =	smov.u32 s25;
	v7 =	vld [tilespmem:s21+$0xFFFFFFF0];
	[tilespmem:s22+$0x3060 ss:$0x81] =	vst.msk $0xffff, v2  }
.Ltmp3:
0x5d: {  	v4 =	vld [tilespmem:s21+$0x0];
	[tilespmem:s22+$0x0 ss:$0x81] =	vst.msk $0xffff, v1;
	s22 =	sadd.s32 s26, s23;
	(pc) =	sbr.rel @p1 .LBB1_3-.Ltmp3, $4  }
0x5e: {  	v3 =	vld [tilespmem:s21+$0x10];
	[tilespmem:s22+$0x3870 ss:$0x81] =	vst.msk $0xffff, v0  }
0x5f: {  	[tilespmem:s22+$0x810 ss:$0x81] =	vst.msk $0xffff, v5;
	v2 =	vld [tilespmem:s21+$0x20]  }
0x60: {  	v1 =	vld [tilespmem:s21+$0xFFFFFFC0];
	[tilespmem:s22+$0x1020 ss:$0x81] =	vst.msk $0xffff, v6;
	s21 =	sadd.s32 $0x80, s21  }
0x61: {  	s25 =	sadd.s32 $0x4, s25;
	v0 =	vld [tilespmem:s21+$0x30];
	[tilespmem:s22+$0x1830 ss:$0x81] =	vst.msk $0xffff, v7  }
.Ltmp4:
0x62: {  	_ = 	snop;
	(pc) =	sbr.rel .LBB1_4-.Ltmp4, $1  }
0x63: {  	_ =	sdelay $0x3  }
.LBB1_6:
0x64: {  	_ =	sfence.sel $0x180000  }
0x65: {  	s2 =	simm.s32 $0x1;
	[bflag:$0x0] =	sbarrier.arrive $0xFFFF  }
0x66: {  	s31 =	simm.s32 $0x2;
	[sflag:s2] =	ssyncpa.u1 $0x1  }
0x67: {  	[sflag:s31] =	ssyncpa.u1 $0x1  }
0x68: {  	p0 =	sne.s32 s0, $0x0;
	_ =	strace $0x9000004A  }
0x69: {  	s0 =	sadd.s32 @!p0 $0x100000, s1;
	[bflag:$0x2] =	sbarrier.arrive $0xFFFF  }
0x6a: {  	[sflag:s0] =	ssyncadd.tile.s32 @!p0 $0x1;
	_ =	shalt  }
.Lfunc_end1:
_tile_overlayer_lowered:
.L_overlay_start_2:
0x6b: {  	(tag) =	ssettag $0x2  }
0x6c: {  	s0 =	rddreg [dreg:$0x0];
	s2 =	stileid.u32  }
0x6d: {  	s1 =	rddreg [dreg:$0x1];
	p0 =	sne.s32 s2, $0x0  }
0x6e: {  	s3 =	rddreg [dreg:$0x2];
	[bflag:$0x3] =	sbarrier.arrive $0xFFFF;
	s2 =	simm.s32 @!p0 $0x1C01  }
0x6f: {  	[timem:s3], [sflag:s2] =	dma.local @!p0 [hbm:s0], s1  }
0x70: {  	s0 =	simm.s32 @!p0 $0x1  }
0x71: {  	_ =	swait.ge @!p0 [sflag:s0], s1  }
0x72: {  	s1 =	ssub.s32 @!p0 $0x0, s1;
	[sflag:s0] =	ssyncset.done @!p0 $0x0  }
0x73: {  	[sflag:s0] =	ssyncadd.s32 @!p0 s1  }
0x74: {  	[bflag:$0x3] =	sbarrier.arrive $0xFFFF  }
0x75: {  	_ =	shalt  }

</sc_bundles>
